<compile_context>
chip_gen: v7x
topology: tpu7x:2x2x1
jax: 0.10.2.dev20260603
libtpu: 0.0.44.dev20260713+nightly
codegen_flags: <defaults>
</compile_context>

<pallas_src>
import jax
import jax.numpy as jnp
from jax import lax
from jax.experimental import pallas as pl
from jax.experimental.pallas import tpu as pltpu
from jax.experimental.pallas import tpu_sc as plsc

N = 10000
D = 128
H = 128
OUT = 128
L = 3

NC = 2
NS = 16
NW = NC * NS
CHUNK = 128
NCHUNK = 79
EPW = NCHUNK * CHUNK
EPAD = EPW * NW
NPAD = 10240
RPT = NPAD // NS
BR = 256


def _mesh():
    return plsc.VectorSubcoreMesh(core_axis_name="c", subcore_axis_name="s")


def _sc_degree_body(dst_hbm, out_hbm, dst_v, ones_v, deg_sh):
    cid = lax.axis_index("c")
    sid = lax.axis_index("s")
    wid = sid * NC + cid
    base = sid * RPT

    def zrow(r, _):
        ones_v[r] = jnp.zeros((16,), jnp.float32)
        return 0
    lax.fori_loop(0, CHUNK, zrow, 0)
    for k in range(RPT // CHUNK):
        pltpu.sync_copy(ones_v, deg_sh.at[pl.ds(base + k * CHUNK, CHUNK)])

    def orow(r, _):
        ones_v[r] = jnp.ones((16,), jnp.float32)
        return 0
    lax.fori_loop(0, CHUNK, orow, 0)
    plsc.subcore_barrier()

    pltpu.sync_copy(dst_hbm.at[wid], dst_v)

    def step(j, _):
        pltpu.sync_copy(ones_v, deg_sh.at[dst_v.at[j]], add=True)
        return 0
    lax.fori_loop(0, NCHUNK, step, 0)

    plsc.subcore_barrier()
    pltpu.sync_copy(deg_sh.at[pl.ds(base, RPT)], out_hbm.at[cid, pl.ds(base, RPT)])


def _sc_degree(dst3):
    return pl.kernel(
        _sc_degree_body,
        out_type=jax.ShapeDtypeStruct((NC, NPAD, 16), jnp.float32),
        mesh=_mesh(),
        scratch_types=[
            pltpu.VMEM((NCHUNK, CHUNK), jnp.int32),
            pltpu.VMEM((CHUNK, 16), jnp.float32),
            pltpu.VMEM_SHARED((NPAD, 16), jnp.float32),
        ],
    )(dst3)


def _sc_edges_body(g_hbm, src_hbm, dst_hbm, out_hbm, src_v, dst_v, rows_v,
                   acc_sh, sem):
    cid = lax.axis_index("c")
    sid = lax.axis_index("s")
    wid = sid * NC + cid
    base = sid * RPT

    def zrow(r, _):
        def zcol(cc, _):
            rows_v[r, pl.ds(cc * 16, 16)] = jnp.zeros((16,), jnp.float32)
            return 0
        lax.fori_loop(0, H // 16, zcol, 0)
        return 0
    lax.fori_loop(0, CHUNK, zrow, 0)
    for k in range(RPT // CHUNK):
        pltpu.sync_copy(rows_v, acc_sh.at[pl.ds(base + k * CHUNK, CHUNK)])
    plsc.subcore_barrier()

    pltpu.sync_copy(src_hbm.at[wid], src_v)
    pltpu.sync_copy(dst_hbm.at[wid], dst_v)

    def step(j, _):
        pltpu.async_copy(g_hbm.at[src_v.at[j]], rows_v, sem).wait()
        pltpu.sync_copy(rows_v, acc_sh.at[dst_v.at[j]], add=True)
        return 0
    lax.fori_loop(0, NCHUNK, step, 0)

    plsc.subcore_barrier()
    for k in range(RPT // CHUNK):
        pltpu.sync_copy(
            acc_sh.at[pl.ds(base + k * CHUNK, CHUNK)],
            out_hbm.at[cid, pl.ds(base + k * CHUNK, CHUNK)],
        )


def _sc_edges(g, src3, dst3):
    return pl.kernel(
        _sc_edges_body,
        out_type=jax.ShapeDtypeStruct((NC, NPAD, H), jnp.float32),
        mesh=_mesh(),
        scratch_types=[
            pltpu.VMEM((NCHUNK, CHUNK), jnp.int32),
            pltpu.VMEM((NCHUNK, CHUNK), jnp.int32),
            pltpu.VMEM((CHUNK, H), jnp.float32),
            pltpu.VMEM_SHARED((NPAD, H), jnp.float32),
            pltpu.SemaphoreType.DMA,
        ],
    )(g, src3, dst3)


def _tc_prep_body(x_ref, wt_ref, deg_ref, g_ref, dinv_ref):
    h = jnp.dot(x_ref[...], wt_ref[...], preferred_element_type=jnp.float32)
    d = deg_ref[0] + deg_ref[1]
    dinv = lax.rsqrt(d[:, 0:1] + 1.0)
    g_ref[...] = h * dinv
    dinv_ref[...] = jnp.broadcast_to(dinv, (BR, H))


def _tc_prep(x_p, wt, deg2):
    grid = (NPAD // BR,)
    return pl.pallas_call(
        _tc_prep_body,
        grid=grid,
        in_specs=[
            pl.BlockSpec((BR, D), lambda i: (i, 0)),
            pl.BlockSpec((D, H), lambda i: (0, 0)),
            pl.BlockSpec((NC, BR, 16), lambda i: (0, i, 0)),
        ],
        out_specs=[
            pl.BlockSpec((BR, H), lambda i: (i, 0)),
            pl.BlockSpec((BR, H), lambda i: (i, 0)),
        ],
        out_shape=[
            jax.ShapeDtypeStruct((NPAD, H), jnp.float32),
            jax.ShapeDtypeStruct((NPAD, H), jnp.float32),
        ],
    )(x_p, wt, deg2)


def _tc_final_body(acc_ref, g_ref, dinv_ref, gcnb_ref, wih_ref, bih_ref,
                   bhh_ref, linwt_ref, linb_ref, out_ref):
    a = acc_ref[0] + acc_ref[1] + g_ref[...]
    z = jnp.maximum(a * dinv_ref[...] + gcnb_ref[...], 0.0)
    for l in range(L):
        gates = jnp.dot(z, wih_ref[l], preferred_element_type=jnp.float32)
        gates = gates + bih_ref[l] + bhh_ref[l]
        i_ = gates[:, 0:H]
        gg = gates[:, 2 * H:3 * H]
        o_ = gates[:, 3 * H:4 * H]
        c = jax.nn.sigmoid(i_) * jnp.tanh(gg)
        z = jax.nn.sigmoid(o_) * jnp.tanh(c)
    out_ref[...] = (
        jnp.dot(z, linwt_ref[...], preferred_element_type=jnp.float32)
        + linb_ref[...]
    )


def _tc_final(acc2, g, dinv2d, gcn_b2, wih_t, b_ih, b_hh, lin_wt, lin_b2):
    grid = (NPAD // BR,)
    return pl.pallas_call(
        _tc_final_body,
        grid=grid,
        in_specs=[
            pl.BlockSpec((NC, BR, H), lambda i: (0, i, 0)),
            pl.BlockSpec((BR, H), lambda i: (i, 0)),
            pl.BlockSpec((BR, H), lambda i: (i, 0)),
            pl.BlockSpec((1, H), lambda i: (0, 0)),
            pl.BlockSpec((L, H, 4 * H), lambda i: (0, 0, 0)),
            pl.BlockSpec((L, 4 * H), lambda i: (0, 0)),
            pl.BlockSpec((L, 4 * H), lambda i: (0, 0)),
            pl.BlockSpec((H, OUT), lambda i: (0, 0)),
            pl.BlockSpec((1, OUT), lambda i: (0, 0)),
        ],
        out_specs=pl.BlockSpec((BR, OUT), lambda i: (i, 0)),
        out_shape=jax.ShapeDtypeStruct((NPAD, OUT), jnp.float32),
    )(acc2, g, dinv2d, gcn_b2, wih_t, b_ih, b_hh, lin_wt, lin_b2)


@jax.jit
def kernel(x, edge_index, gcn_W, gcn_b, W_ih, W_hh, b_ih, b_hh, lin_W, lin_b):
    del W_hh

    x_p = jnp.zeros((NPAD, D), jnp.float32).at[:N].set(x)
    src = edge_index[0]
    dst = edge_index[1]
    pad = EPAD - src.shape[0]
    src3 = jnp.concatenate([src, jnp.zeros((pad,), jnp.int32)]).reshape(
        NW, NCHUNK, CHUNK)
    dst3 = jnp.concatenate([dst, jnp.full((pad,), N, jnp.int32)]).reshape(
        NW, NCHUNK, CHUNK)
    wt = gcn_W.T
    wih_t = W_ih.transpose(0, 2, 1)
    lin_wt = lin_W.T
    gcn_b2 = gcn_b.reshape(1, H)
    lin_b2 = lin_b.reshape(1, OUT)

    deg2 = _sc_degree(dst3)
    g, dinv2d = _tc_prep(x_p, wt, deg2)
    acc2 = _sc_edges(g, src3, dst3)
    out = _tc_final(acc2, g, dinv2d, gcn_b2, wih_t, b_ih, b_hh, lin_wt,
                    lin_b2)
    return out[:N]

# --- scband reference (transcript-rebuilt; emitter-appended) ---
"""Pipeline reference for scband-recurrent-gnn-41979010351135 (READ-ONLY COPY).

The authoritative reference and input builder live on the scoring server;
editing this copy changes nothing except your own understanding.
"""

import jax, jax.numpy as jnp
import numpy as np

N = 10000
E = 320000
D = 128
H = 128
OUT = 128
L = 3


def setup_inputs(seed: int = 0) -> dict:
    key = jax.random.key(seed)
    ks = jax.random.split(key, 12)
    x = jax.random.normal(ks[0], (N, D), dtype=jnp.float32)
    edge_index = jax.random.randint(ks[1], (2, E), 0, N, dtype=jnp.int32)
    # GCNConv params (weight [H, D], bias [H])
    gcn_W = jax.random.normal(ks[2], (H, D), dtype=jnp.float32) * (1.0 / np.sqrt(D))
    gcn_b = jnp.zeros((H,), dtype=jnp.float32)
    # LSTM params per layer: W_ih [4H, H], W_hh [4H, H], b_ih [4H], b_hh [4H]
    s = 1.0 / np.sqrt(H)
    W_ih = jax.random.uniform(ks[3], (L, 4 * H, H), dtype=jnp.float32, minval=-s, maxval=s)
    W_hh = jax.random.uniform(ks[4], (L, 4 * H, H), dtype=jnp.float32, minval=-s, maxval=s)
    b_ih = jax.random.uniform(ks[5], (L, 4 * H), dtype=jnp.float32, minval=-s, maxval=s)
    b_hh = jax.random.uniform(ks[6], (L, 4 * H), dtype=jnp.float32, minval=-s, maxval=s)
    # Output linear
    lin_W = jax.random.normal(ks[7], (OUT, H), dtype=jnp.float32) * (1.0 / np.sqrt(H))
    lin_b = jnp.zeros((OUT,), dtype=jnp.float32)
    return {
        "x": x,
        "edge_index": edge_index,
        "gcn_W": gcn_W,
        "gcn_b": gcn_b,
        "W_ih": W_ih,
        "W_hh": W_hh,
        "b_ih": b_ih,
        "b_hh": b_hh,
        "lin_W": lin_W,
        "lin_b": lin_b,
    }


def _gcn_conv(x, edge_index, gcn_W, gcn_b):
    # torch_geometric GCNConv: add self-loops, symmetric degree normalization
    n = x.shape[0]
    src = edge_index[0]
    dst = edge_index[1]
    loop = jnp.arange(n, dtype=src.dtype)
    src2 = jnp.concatenate([src, loop])
    dst2 = jnp.concatenate([dst, loop])
    deg = jnp.zeros((n,), dtype=x.dtype).at[dst2].add(1.0)
    dinv = jax.lax.rsqrt(deg)  # deg >= 1 due to self-loops
    norm = dinv[src2] * dinv[dst2]
    h = x @ gcn_W.T
    msg = h[src2] * norm[:, None]
    agg = jnp.zeros_like(h).at[dst2].add(msg)
    return agg + gcn_b


def _lstm_seq1(hx, W_ih, W_hh, b_ih, b_hh):
    # LSTM over a length-1 sequence with zero initial (h0, c0):
    # h_prev = 0 so the W_hh @ h term vanishes, but b_hh remains.
    hidden = hx
    for l in range(W_ih.shape[0]):
        gates = hidden @ W_ih[l].T + b_ih[l] + b_hh[l]
        i, f, g, o = jnp.split(gates, 4, axis=-1)
        c = jax.nn.sigmoid(i) * jnp.tanh(g)
        hidden = jax.nn.sigmoid(o) * jnp.tanh(c)
    return hidden


def reference(x, edge_index, gcn_W, gcn_b, W_ih, W_hh, b_ih, b_hh, lin_W, lin_b):
    h = jax.nn.relu(_gcn_conv(x, edge_index, gcn_W, gcn_b))
    # dropout is identity in eval mode
    h = _lstm_seq1(h, W_ih, W_hh, b_ih, b_hh)
    out = h @ lin_W.T + lin_b
    return out

if __name__ == "__main__":
    import jax
    _d = setup_inputs()
    print(jax.jit(kernel)(*tuple(_d.values())))

</pallas_src>

<mosaic_0001>
#map = affine_map<(d0, d1) -> (0, 0)>
#map1 = affine_map<(d0, d1) -> (0, 0, 0)>
module attributes {stable_mosaic.version = 14 : i64} {
  func.func @_sc_edges_body(%arg0: i32, %arg1: i32, %arg2: memref<10240x128xf32, #tpu.memory_space<hbm>>, %arg3: memref<32x79x128xi32, #tpu.memory_space<hbm>>, %arg4: memref<32x79x128xi32, #tpu.memory_space<hbm>>, %arg5: memref<2x10240x128xf32, #tpu.memory_space<hbm>>, %arg6: memref<79x128xi32, #tpu.memory_space<vmem>>, %arg7: memref<79x128xi32, #tpu.memory_space<vmem>>, %arg8: memref<128x128xf32, #tpu.memory_space<vmem>>, %arg9: memref<10240x128xf32, #tpu.memory_space<vmem_shared>>, %arg10: memref<!tpu.dma_semaphore, #tpu.memory_space<semaphore_mem>>) attributes {dimension_semantics = [#tpu.dimension_semantics<core_parallel>, #tpu.dimension_semantics<subcore_parallel>], iteration_bounds = array<i64: 2, 16>, scalar_prefetch = 0 : i64, scratch_operands = 5 : i64, tpu.core_type = #tpu.core_type<sc_vector_subcore>, window_params = [{transform_indices = #map}, {transform_indices = #map1}, {transform_indices = #map1}, {transform_indices = #map1}]} {
    %mul3A = arith.constant 2 : i32
    %mul3A_0 = arith.muli %arg1, %mul3A : i32
    %add3A = arith.addi %mul3A_0, %arg0 : i32
    %mul3A_1 = arith.constant 640 : i32
    %mul3A_2 = arith.muli %arg1, %mul3A_1 : i32
    %scan3A = arith.constant 0 : i32
    %scan3A_3 = arith.constant 0 : i32
    %scan3A_4 = arith.constant 128 : i32
    %scan3A_5 = arith.addi %scan3A_3, %scan3A_4 : i32
    %scan3A_6 = arith.constant 1 : i32
    %scan3A_7 = scf.for %scan3A_47 = %scan3A_3 to %scan3A_5 step %scan3A_6 iter_args(%scan3A_48 = %scan3A) -> (i32)  : i32 {
      %scan3A_49 = arith.constant 0 : i32
      %scan3A_50 = arith.constant 0 : i32
      %scan3A_51 = arith.constant 8 : i32
      %scan3A_52 = arith.addi %scan3A_50, %scan3A_51 : i32
      %scan3A_53 = arith.constant 1 : i32
      %scan3A_54 = scf.for %scan3A_57 = %scan3A_50 to %scan3A_52 step %scan3A_53 iter_args(%scan3A_58 = %scan3A_49) -> (i32)  : i32 {
        %broadcast_in_dim3A = arith.constant 0.000000e+00 : f32
        %broadcast_in_dim3A_59 = vector.broadcast %broadcast_in_dim3A : f32 to vector<16xf32>
        %mul3A_60 = arith.constant 16 : i32
        %mul3A_61 = arith.muli %scan3A_57, %mul3A_60 : i32
        %swap3A = arith.index_cast %scan3A_47 : i32 to index
        %swap3A_62 = arith.index_cast %mul3A_61 : i32 to index
        %swap3A_63 = tpu.vector_load %arg8[%swap3A, %swap3A_62] {strides = array<i32>} : memref<128x128xf32, #tpu.memory_space<vmem>>, vector<1x16xf32>,
        %swap3A_64 = vector.shape_cast %swap3A_63 : vector<1x16xf32> to vector<16xf32>
        %swap3A_65 = vector.shape_cast %broadcast_in_dim3A_59 : vector<16xf32> to vector<1x16xf32>
        tpu.vector_store %arg8[%swap3A, %swap3A_62], %swap3A_65 {strides = array<i32>} : memref<128x128xf32, #tpu.memory_space<vmem>>, vector<1x16xf32>,
        %scan3A_66 = arith.constant 0 : i32
        scf.yield %scan3A_66 : i32
      }
      %scan3A_55 = arith.constant 8 : i32
      %scan3A_56 = arith.constant 0 : i32
      scf.yield %scan3A_56 : i32
    }
    %scan3A_8 = arith.constant 128 : i32
    %add3A_9 = arith.constant 0 : i32
    %add3A_10 = arith.addi %mul3A_2, %add3A_9 : i32
    "tpu.region"() ({
      %run_scoped3A = tpu.sem_alloc : memref<!tpu.dma_semaphore, #tpu.memory_space<semaphore_mem>>
      %dma_start3A = arith.constant 0 : i32
      %dma_start3A_47 = tpu.memref_slice %arg9[%add3A_10, %dma_start3A] : memref<10240x128xf32, #tpu.memory_space<vmem_shared>> -> memref<128x128xf32, #tpu.memory_space<vmem_shared>>
      %dma_start3A_48 = arith.constant 0 : i32
      %dma_start3A_49 = tpu.memref_slice %arg9[%add3A_10, %dma_start3A_48] : memref<10240x128xf32, #tpu.memory_space<vmem_shared>> -> memref<128x128xf32, #tpu.memory_space<vmem_shared>>
      tpu.enqueue_dma source(%arg8 : memref<128x128xf32, #tpu.memory_space<vmem>>) target(%dma_start3A_49 : memref<128x128xf32, #tpu.memory_space<vmem_shared>>) target_semaphore(%run_scoped3A : memref<!tpu.dma_semaphore, #tpu.memory_space<semaphore_mem>>)
      %dma_wait3A = arith.constant 0 : i32
      %dma_wait3A_50 = tpu.memref_slice %arg9[%add3A_10, %dma_wait3A] : memref<10240x128xf32, #tpu.memory_space<vmem_shared>> -> memref<128x128xf32, #tpu.memory_space<vmem_shared>>
      %dma_wait3A_51 = arith.constant 0 : i32
      %dma_wait3A_52 = tpu.memref_slice %arg9[%add3A_10, %dma_wait3A_51] : memref<10240x128xf32, #tpu.memory_space<vmem_shared>> -> memref<128x128xf32, #tpu.memory_space<vmem_shared>>
      tpu.wait_dma2 semaphore(%run_scoped3A : memref<!tpu.dma_semaphore, #tpu.memory_space<semaphore_mem>>) src(%arg8 : memref<128x128xf32, #tpu.memory_space<vmem>>) dst(%dma_wait3A_52 : memref<128x128xf32, #tpu.memory_space<vmem_shared>>)
      tpu.yield
    }) : () -> ()
    %add3A_11 = arith.constant 128 : i32
    %add3A_12 = arith.addi %mul3A_2, %add3A_11 : i32
    "tpu.region"() ({
      %run_scoped3A = tpu.sem_alloc : memref<!tpu.dma_semaphore, #tpu.memory_space<semaphore_mem>>
      %dma_start3A = arith.constant 0 : i32
      %dma_start3A_47 = tpu.memref_slice %arg9[%add3A_12, %dma_start3A] : memref<10240x128xf32, #tpu.memory_space<vmem_shared>> -> memref<128x128xf32, #tpu.memory_space<vmem_shared>>
      %dma_start3A_48 = arith.constant 0 : i32
      %dma_start3A_49 = tpu.memref_slice %arg9[%add3A_12, %dma_start3A_48] : memref<10240x128xf32, #tpu.memory_space<vmem_shared>> -> memref<128x128xf32, #tpu.memory_space<vmem_shared>>
      tpu.enqueue_dma source(%arg8 : memref<128x128xf32, #tpu.memory_space<vmem>>) target(%dma_start3A_49 : memref<128x128xf32, #tpu.memory_space<vmem_shared>>) target_semaphore(%run_scoped3A : memref<!tpu.dma_semaphore, #tpu.memory_space<semaphore_mem>>)
      %dma_wait3A = arith.constant 0 : i32
      %dma_wait3A_50 = tpu.memref_slice %arg9[%add3A_12, %dma_wait3A] : memref<10240x128xf32, #tpu.memory_space<vmem_shared>> -> memref<128x128xf32, #tpu.memory_space<vmem_shared>>
      %dma_wait3A_51 = arith.constant 0 : i32
      %dma_wait3A_52 = tpu.memref_slice %arg9[%add3A_12, %dma_wait3A_51] : memref<10240x128xf32, #tpu.memory_space<vmem_shared>> -> memref<128x128xf32, #tpu.memory_space<vmem_shared>>
      tpu.wait_dma2 semaphore(%run_scoped3A : memref<!tpu.dma_semaphore, #tpu.memory_space<semaphore_mem>>) src(%arg8 : memref<128x128xf32, #tpu.memory_space<vmem>>) dst(%dma_wait3A_52 : memref<128x128xf32, #tpu.memory_space<vmem_shared>>)
      tpu.yield
    }) : () -> ()
    %add3A_13 = arith.constant 256 : i32
    %add3A_14 = arith.addi %mul3A_2, %add3A_13 : i32
    "tpu.region"() ({
      %run_scoped3A = tpu.sem_alloc : memref<!tpu.dma_semaphore, #tpu.memory_space<semaphore_mem>>
      %dma_start3A = arith.constant 0 : i32
      %dma_start3A_47 = tpu.memref_slice %arg9[%add3A_14, %dma_start3A] : memref<10240x128xf32, #tpu.memory_space<vmem_shared>> -> memref<128x128xf32, #tpu.memory_space<vmem_shared>>
      %dma_start3A_48 = arith.constant 0 : i32
      %dma_start3A_49 = tpu.memref_slice %arg9[%add3A_14, %dma_start3A_48] : memref<10240x128xf32, #tpu.memory_space<vmem_shared>> -> memref<128x128xf32, #tpu.memory_space<vmem_shared>>
      tpu.enqueue_dma source(%arg8 : memref<128x128xf32, #tpu.memory_space<vmem>>) target(%dma_start3A_49 : memref<128x128xf32, #tpu.memory_space<vmem_shared>>) target_semaphore(%run_scoped3A : memref<!tpu.dma_semaphore, #tpu.memory_space<semaphore_mem>>)
      %dma_wait3A = arith.constant 0 : i32
      %dma_wait3A_50 = tpu.memref_slice %arg9[%add3A_14, %dma_wait3A] : memref<10240x128xf32, #tpu.memory_space<vmem_shared>> -> memref<128x128xf32, #tpu.memory_space<vmem_shared>>
      %dma_wait3A_51 = arith.constant 0 : i32
      %dma_wait3A_52 = tpu.memref_slice %arg9[%add3A_14, %dma_wait3A_51] : memref<10240x128xf32, #tpu.memory_space<vmem_shared>> -> memref<128x128xf32, #tpu.memory_space<vmem_shared>>
      tpu.wait_dma2 semaphore(%run_scoped3A : memref<!tpu.dma_semaphore, #tpu.memory_space<semaphore_mem>>) src(%arg8 : memref<128x128xf32, #tpu.memory_space<vmem>>) dst(%dma_wait3A_52 : memref<128x128xf32, #tpu.memory_space<vmem_shared>>)
      tpu.yield
    }) : () -> ()
    %add3A_15 = arith.constant 384 : i32
    %add3A_16 = arith.addi %mul3A_2, %add3A_15 : i32
    "tpu.region"() ({
      %run_scoped3A = tpu.sem_alloc : memref<!tpu.dma_semaphore, #tpu.memory_space<semaphore_mem>>
      %dma_start3A = arith.constant 0 : i32
      %dma_start3A_47 = tpu.memref_slice %arg9[%add3A_16, %dma_start3A] : memref<10240x128xf32, #tpu.memory_space<vmem_shared>> -> memref<128x128xf32, #tpu.memory_space<vmem_shared>>
      %dma_start3A_48 = arith.constant 0 : i32
      %dma_start3A_49 = tpu.memref_slice %arg9[%add3A_16, %dma_start3A_48] : memref<10240x128xf32, #tpu.memory_space<vmem_shared>> -> memref<128x128xf32, #tpu.memory_space<vmem_shared>>
      tpu.enqueue_dma source(%arg8 : memref<128x128xf32, #tpu.memory_space<vmem>>) target(%dma_start3A_49 : memref<128x128xf32, #tpu.memory_space<vmem_shared>>) target_semaphore(%run_scoped3A : memref<!tpu.dma_semaphore, #tpu.memory_space<semaphore_mem>>)
      %dma_wait3A = arith.constant 0 : i32
      %dma_wait3A_50 = tpu.memref_slice %arg9[%add3A_16, %dma_wait3A] : memref<10240x128xf32, #tpu.memory_space<vmem_shared>> -> memref<128x128xf32, #tpu.memory_space<vmem_shared>>
      %dma_wait3A_51 = arith.constant 0 : i32
      %dma_wait3A_52 = tpu.memref_slice %arg9[%add3A_16, %dma_wait3A_51] : memref<10240x128xf32, #tpu.memory_space<vmem_shared>> -> memref<128x128xf32, #tpu.memory_space<vmem_shared>>
      tpu.wait_dma2 semaphore(%run_scoped3A : memref<!tpu.dma_semaphore, #tpu.memory_space<semaphore_mem>>) src(%arg8 : memref<128x128xf32, #tpu.memory_space<vmem>>) dst(%dma_wait3A_52 : memref<128x128xf32, #tpu.memory_space<vmem_shared>>)
      tpu.yield
    }) : () -> ()
    %add3A_17 = arith.constant 512 : i32
    %add3A_18 = arith.addi %mul3A_2, %add3A_17 : i32
    "tpu.region"() ({
      %run_scoped3A = tpu.sem_alloc : memref<!tpu.dma_semaphore, #tpu.memory_space<semaphore_mem>>
      %dma_start3A = arith.constant 0 : i32
      %dma_start3A_47 = tpu.memref_slice %arg9[%add3A_18, %dma_start3A] : memref<10240x128xf32, #tpu.memory_space<vmem_shared>> -> memref<128x128xf32, #tpu.memory_space<vmem_shared>>
      %dma_start3A_48 = arith.constant 0 : i32
      %dma_start3A_49 = tpu.memref_slice %arg9[%add3A_18, %dma_start3A_48] : memref<10240x128xf32, #tpu.memory_space<vmem_shared>> -> memref<128x128xf32, #tpu.memory_space<vmem_shared>>
      tpu.enqueue_dma source(%arg8 : memref<128x128xf32, #tpu.memory_space<vmem>>) target(%dma_start3A_49 : memref<128x128xf32, #tpu.memory_space<vmem_shared>>) target_semaphore(%run_scoped3A : memref<!tpu.dma_semaphore, #tpu.memory_space<semaphore_mem>>)
      %dma_wait3A = arith.constant 0 : i32
      %dma_wait3A_50 = tpu.memref_slice %arg9[%add3A_18, %dma_wait3A] : memref<10240x128xf32, #tpu.memory_space<vmem_shared>> -> memref<128x128xf32, #tpu.memory_space<vmem_shared>>
      %dma_wait3A_51 = arith.constant 0 : i32
      %dma_wait3A_52 = tpu.memref_slice %arg9[%add3A_18, %dma_wait3A_51] : memref<10240x128xf32, #tpu.memory_space<vmem_shared>> -> memref<128x128xf32, #tpu.memory_space<vmem_shared>>
      tpu.wait_dma2 semaphore(%run_scoped3A : memref<!tpu.dma_semaphore, #tpu.memory_space<semaphore_mem>>) src(%arg8 : memref<128x128xf32, #tpu.memory_space<vmem>>) dst(%dma_wait3A_52 : memref<128x128xf32, #tpu.memory_space<vmem_shared>>)
      tpu.yield
    }) : () -> ()
    %barrier3A = arith.constant 0 : index
    tpu.barrier barrier_id(%barrier3A)
    "tpu.region"() ({
      %run_scoped3A = tpu.sem_alloc : memref<!tpu.dma_semaphore, #tpu.memory_space<semaphore_mem>>
      %dma_start3A = arith.constant 0 : i32
      %dma_start3A_47 = arith.constant 0 : i32
      %dma_start3A_48 = tpu.memref_slice %arg3[%add3A, %dma_start3A, %dma_start3A_47] : memref<32x79x128xi32, #tpu.memory_space<hbm>> -> memref<1x79x128xi32, #tpu.memory_space<hbm>>
      %dma_start3A_49 = tpu.memref_squeeze %dma_start3A_48 : memref<1x79x128xi32, #tpu.memory_space<hbm>> -> memref<79x128xi32, #tpu.memory_space<hbm>>
      %dma_start3A_50 = arith.constant 0 : i32
      %dma_start3A_51 = arith.constant 0 : i32
      %dma_start3A_52 = tpu.memref_slice %arg3[%add3A, %dma_start3A_50, %dma_start3A_51] : memref<32x79x128xi32, #tpu.memory_space<hbm>> -> memref<1x79x128xi32, #tpu.memory_space<hbm>>
      %dma_start3A_53 = tpu.memref_squeeze %dma_start3A_52 : memref<1x79x128xi32, #tpu.memory_space<hbm>> -> memref<79x128xi32, #tpu.memory_space<hbm>>
      tpu.enqueue_dma source(%dma_start3A_53 : memref<79x128xi32, #tpu.memory_space<hbm>>) target(%arg6 : memref<79x128xi32, #tpu.memory_space<vmem>>) target_semaphore(%run_scoped3A : memref<!tpu.dma_semaphore, #tpu.memory_space<semaphore_mem>>)
      %dma_wait3A = arith.constant 0 : i32
      %dma_wait3A_54 = arith.constant 0 : i32
      %dma_wait3A_55 = tpu.memref_slice %arg3[%add3A, %dma_wait3A, %dma_wait3A_54] : memref<32x79x128xi32, #tpu.memory_space<hbm>> -> memref<1x79x128xi32, #tpu.memory_space<hbm>>
      %dma_wait3A_56 = tpu.memref_squeeze %dma_wait3A_55 : memref<1x79x128xi32, #tpu.memory_space<hbm>> -> memref<79x128xi32, #tpu.memory_space<hbm>>
      %dma_wait3A_57 = arith.constant 0 : i32
      %dma_wait3A_58 = arith.constant 0 : i32
      %dma_wait3A_59 = tpu.memref_slice %arg3[%add3A, %dma_wait3A_57, %dma_wait3A_58] : memref<32x79x128xi32, #tpu.memory_space<hbm>> -> memref<1x79x128xi32, #tpu.memory_space<hbm>>
      %dma_wait3A_60 = tpu.memref_squeeze %dma_wait3A_59 : memref<1x79x128xi32, #tpu.memory_space<hbm>> -> memref<79x128xi32, #tpu.memory_space<hbm>>
      tpu.wait_dma2 semaphore(%run_scoped3A : memref<!tpu.dma_semaphore, #tpu.memory_space<semaphore_mem>>) src(%dma_wait3A_60 : memref<79x128xi32, #tpu.memory_space<hbm>>) dst(%arg6 : memref<79x128xi32, #tpu.memory_space<vmem>>)
      tpu.yield
    }) : () -> ()
    "tpu.region"() ({
      %run_scoped3A = tpu.sem_alloc : memref<!tpu.dma_semaphore, #tpu.memory_space<semaphore_mem>>
      %dma_start3A = arith.constant 0 : i32
      %dma_start3A_47 = arith.constant 0 : i32
      %dma_start3A_48 = tpu.memref_slice %arg4[%add3A, %dma_start3A, %dma_start3A_47] : memref<32x79x128xi32, #tpu.memory_space<hbm>> -> memref<1x79x128xi32, #tpu.memory_space<hbm>>
      %dma_start3A_49 = tpu.memref_squeeze %dma_start3A_48 : memref<1x79x128xi32, #tpu.memory_space<hbm>> -> memref<79x128xi32, #tpu.memory_space<hbm>>
      %dma_start3A_50 = arith.constant 0 : i32
      %dma_start3A_51 = arith.constant 0 : i32
      %dma_start3A_52 = tpu.memref_slice %arg4[%add3A, %dma_start3A_50, %dma_start3A_51] : memref<32x79x128xi32, #tpu.memory_space<hbm>> -> memref<1x79x128xi32, #tpu.memory_space<hbm>>
      %dma_start3A_53 = tpu.memref_squeeze %dma_start3A_52 : memref<1x79x128xi32, #tpu.memory_space<hbm>> -> memref<79x128xi32, #tpu.memory_space<hbm>>
      tpu.enqueue_dma source(%dma_start3A_53 : memref<79x128xi32, #tpu.memory_space<hbm>>) target(%arg7 : memref<79x128xi32, #tpu.memory_space<vmem>>) target_semaphore(%run_scoped3A : memref<!tpu.dma_semaphore, #tpu.memory_space<semaphore_mem>>)
      %dma_wait3A = arith.constant 0 : i32
      %dma_wait3A_54 = arith.constant 0 : i32
      %dma_wait3A_55 = tpu.memref_slice %arg4[%add3A, %dma_wait3A, %dma_wait3A_54] : memref<32x79x128xi32, #tpu.memory_space<hbm>> -> memref<1x79x128xi32, #tpu.memory_space<hbm>>
      %dma_wait3A_56 = tpu.memref_squeeze %dma_wait3A_55 : memref<1x79x128xi32, #tpu.memory_space<hbm>> -> memref<79x128xi32, #tpu.memory_space<hbm>>
      %dma_wait3A_57 = arith.constant 0 : i32
      %dma_wait3A_58 = arith.constant 0 : i32
      %dma_wait3A_59 = tpu.memref_slice %arg4[%add3A, %dma_wait3A_57, %dma_wait3A_58] : memref<32x79x128xi32, #tpu.memory_space<hbm>> -> memref<1x79x128xi32, #tpu.memory_space<hbm>>
      %dma_wait3A_60 = tpu.memref_squeeze %dma_wait3A_59 : memref<1x79x128xi32, #tpu.memory_space<hbm>> -> memref<79x128xi32, #tpu.memory_space<hbm>>
      tpu.wait_dma2 semaphore(%run_scoped3A : memref<!tpu.dma_semaphore, #tpu.memory_space<semaphore_mem>>) src(%dma_wait3A_60 : memref<79x128xi32, #tpu.memory_space<hbm>>) dst(%arg7 : memref<79x128xi32, #tpu.memory_space<vmem>>)
      tpu.yield
    }) : () -> ()
    %scan3A_19 = arith.constant 0 : i32
    %scan3A_20 = arith.constant 0 : i32
    %scan3A_21 = arith.constant 79 : i32
    %scan3A_22 = arith.addi %scan3A_20, %scan3A_21 : i32
    %scan3A_23 = arith.constant 1 : i32
    %scan3A_24 = scf.for %scan3A_47 = %scan3A_20 to %scan3A_22 step %scan3A_23 iter_args(%scan3A_48 = %scan3A_19) -> (i32)  : i32 {
      %dma_start3A = arith.constant 0 : i32
      %dma_start3A_49 = tpu.memref_slice %arg6[%scan3A_47, %dma_start3A] : memref<79x128xi32, #tpu.memory_space<vmem>> -> memref<1x128xi32, #tpu.memory_space<vmem>>
      %dma_start3A_50 = tpu.memref_squeeze %dma_start3A_49 : memref<1x128xi32, #tpu.memory_space<vmem>> -> memref<128xi32, #tpu.memory_space<vmem>>
      %dma_start3A_51 = arith.constant 0 : i32
      %dma_start3A_52 = arith.constant 0 : i32
      %dma_start3A_53 = tpu.memref_slice %arg2[%dma_start3A_51, %dma_start3A_52] : memref<10240x128xf32, #tpu.memory_space<hbm>> -> memref<10240x128xf32, #tpu.memory_space<hbm>>
      tpu.enqueue_indirect_dma source(%dma_start3A_53 : memref<10240x128xf32, #tpu.memory_space<hbm>>) target(%arg8 : memref<128x128xf32, #tpu.memory_space<vmem>>) offsets(%dma_start3A_50 : memref<128xi32, #tpu.memory_space<vmem>>) semaphore(%arg10 : memref<!tpu.dma_semaphore, #tpu.memory_space<semaphore_mem>>)
      %dma_wait3A = arith.constant 0 : i32
      %dma_wait3A_54 = tpu.memref_slice %arg6[%scan3A_47, %dma_wait3A] : memref<79x128xi32, #tpu.memory_space<vmem>> -> memref<1x128xi32, #tpu.memory_space<vmem>>
      %dma_wait3A_55 = tpu.memref_squeeze %dma_wait3A_54 : memref<1x128xi32, #tpu.memory_space<vmem>> -> memref<128xi32, #tpu.memory_space<vmem>>
      %dma_wait3A_56 = arith.constant 0 : i32
      %dma_wait3A_57 = arith.constant 0 : i32
      %dma_wait3A_58 = tpu.memref_slice %arg2[%dma_wait3A_56, %dma_wait3A_57] : memref<10240x128xf32, #tpu.memory_space<hbm>> -> memref<10240x128xf32, #tpu.memory_space<hbm>>
      tpu.wait_indirect_dma semaphore(%arg10 : memref<!tpu.dma_semaphore, #tpu.memory_space<semaphore_mem>>) src(%dma_wait3A_58 : memref<10240x128xf32, #tpu.memory_space<hbm>>) dst(%arg8 : memref<128x128xf32, #tpu.memory_space<vmem>>)
      "tpu.region"() ({
        %run_scoped3A = tpu.sem_alloc : memref<!tpu.dma_semaphore, #tpu.memory_space<semaphore_mem>>
        %dma_start3A_60 = arith.constant 0 : i32
        %dma_start3A_61 = tpu.memref_slice %arg7[%scan3A_47, %dma_start3A_60] : memref<79x128xi32, #tpu.memory_space<vmem>> -> memref<1x128xi32, #tpu.memory_space<vmem>>
        %dma_start3A_62 = tpu.memref_squeeze %dma_start3A_61 : memref<1x128xi32, #tpu.memory_space<vmem>> -> memref<128xi32, #tpu.memory_space<vmem>>
        %dma_start3A_63 = arith.constant 0 : i32
        %dma_start3A_64 = arith.constant 0 : i32
        %dma_start3A_65 = tpu.memref_slice %arg9[%dma_start3A_63, %dma_start3A_64] : memref<10240x128xf32, #tpu.memory_space<vmem_shared>> -> memref<10240x128xf32, #tpu.memory_space<vmem_shared>>
        tpu.enqueue_indirect_dma source(%arg8 : memref<128x128xf32, #tpu.memory_space<vmem>>) target(%dma_start3A_65 : memref<10240x128xf32, #tpu.memory_space<vmem_shared>>) offsets(%dma_start3A_62 : memref<128xi32, #tpu.memory_space<vmem>>) semaphore(%run_scoped3A : memref<!tpu.dma_semaphore, #tpu.memory_space<semaphore_mem>>) {add = true}
        %dma_wait3A_66 = arith.constant 0 : i32
        %dma_wait3A_67 = tpu.memref_slice %arg7[%scan3A_47, %dma_wait3A_66] : memref<79x128xi32, #tpu.memory_space<vmem>> -> memref<1x128xi32, #tpu.memory_space<vmem>>
        %dma_wait3A_68 = tpu.memref_squeeze %dma_wait3A_67 : memref<1x128xi32, #tpu.memory_space<vmem>> -> memref<128xi32, #tpu.memory_space<vmem>>
        %dma_wait3A_69 = arith.constant 0 : i32
        %dma_wait3A_70 = arith.constant 0 : i32
        %dma_wait3A_71 = tpu.memref_slice %arg9[%dma_wait3A_69, %dma_wait3A_70] : memref<10240x128xf32, #tpu.memory_space<vmem_shared>> -> memref<10240x128xf32, #tpu.memory_space<vmem_shared>>
        tpu.wait_indirect_dma semaphore(%run_scoped3A : memref<!tpu.dma_semaphore, #tpu.memory_space<semaphore_mem>>) src(%arg8 : memref<128x128xf32, #tpu.memory_space<vmem>>) dst(%dma_wait3A_71 : memref<10240x128xf32, #tpu.memory_space<vmem_shared>>)
        tpu.yield
      }) : () -> ()
      %scan3A_59 = arith.constant 0 : i32
      scf.yield %scan3A_59 : i32
    }
    %scan3A_25 = arith.constant 79 : i32
    %barrier3A_26 = arith.constant 0 : index
    tpu.barrier barrier_id(%barrier3A_26)
    %add3A_27 = arith.constant 0 : i32
    %add3A_28 = arith.addi %mul3A_2, %add3A_27 : i32
    %add3A_29 = arith.constant 0 : i32
    %add3A_30 = arith.addi %mul3A_2, %add3A_29 : i32
    "tpu.region"() ({
      %run_scoped3A = tpu.sem_alloc : memref<!tpu.dma_semaphore, #tpu.memory_space<semaphore_mem>>
      %dma_start3A = arith.constant 0 : i32
      %dma_start3A_47 = tpu.memref_slice %arg5[%arg0, %add3A_30, %dma_start3A] : memref<2x10240x128xf32, #tpu.memory_space<hbm>> -> memref<1x128x128xf32, #tpu.memory_space<hbm>>
      %dma_start3A_48 = tpu.memref_squeeze %dma_start3A_47 : memref<1x128x128xf32, #tpu.memory_space<hbm>> -> memref<128x128xf32, #tpu.memory_space<hbm>>
      %dma_start3A_49 = arith.constant 0 : i32
      %dma_start3A_50 = tpu.memref_slice %arg9[%add3A_28, %dma_start3A_49] : memref<10240x128xf32, #tpu.memory_space<vmem_shared>> -> memref<128x128xf32, #tpu.memory_space<vmem_shared>>
      tpu.enqueue_dma source(%dma_start3A_50 : memref<128x128xf32, #tpu.memory_space<vmem_shared>>) target(%dma_start3A_48 : memref<128x128xf32, #tpu.memory_space<hbm>>) target_semaphore(%run_scoped3A : memref<!tpu.dma_semaphore, #tpu.memory_space<semaphore_mem>>)
      %dma_wait3A = arith.constant 0 : i32
      %dma_wait3A_51 = tpu.memref_slice %arg5[%arg0, %add3A_30, %dma_wait3A] : memref<2x10240x128xf32, #tpu.memory_space<hbm>> -> memref<1x128x128xf32, #tpu.memory_space<hbm>>
      %dma_wait3A_52 = tpu.memref_squeeze %dma_wait3A_51 : memref<1x128x128xf32, #tpu.memory_space<hbm>> -> memref<128x128xf32, #tpu.memory_space<hbm>>
      %dma_wait3A_53 = arith.constant 0 : i32
      %dma_wait3A_54 = tpu.memref_slice %arg9[%add3A_28, %dma_wait3A_53] : memref<10240x128xf32, #tpu.memory_space<vmem_shared>> -> memref<128x128xf32, #tpu.memory_space<vmem_shared>>
      tpu.wait_dma2 semaphore(%run_scoped3A : memref<!tpu.dma_semaphore, #tpu.memory_space<semaphore_mem>>) src(%dma_wait3A_54 : memref<128x128xf32, #tpu.memory_space<vmem_shared>>) dst(%dma_wait3A_52 : memref<128x128xf32, #tpu.memory_space<hbm>>)
      tpu.yield
    }) : () -> ()
    %add3A_31 = arith.constant 128 : i32
    %add3A_32 = arith.addi %mul3A_2, %add3A_31 : i32
    %add3A_33 = arith.constant 128 : i32
    %add3A_34 = arith.addi %mul3A_2, %add3A_33 : i32
    "tpu.region"() ({
      %run_scoped3A = tpu.sem_alloc : memref<!tpu.dma_semaphore, #tpu.memory_space<semaphore_mem>>
      %dma_start3A = arith.constant 0 : i32
      %dma_start3A_47 = tpu.memref_slice %arg5[%arg0, %add3A_34, %dma_start3A] : memref<2x10240x128xf32, #tpu.memory_space<hbm>> -> memref<1x128x128xf32, #tpu.memory_space<hbm>>
      %dma_start3A_48 = tpu.memref_squeeze %dma_start3A_47 : memref<1x128x128xf32, #tpu.memory_space<hbm>> -> memref<128x128xf32, #tpu.memory_space<hbm>>
      %dma_start3A_49 = arith.constant 0 : i32
      %dma_start3A_50 = tpu.memref_slice %arg9[%add3A_32, %dma_start3A_49] : memref<10240x128xf32, #tpu.memory_space<vmem_shared>> -> memref<128x128xf32, #tpu.memory_space<vmem_shared>>
      tpu.enqueue_dma source(%dma_start3A_50 : memref<128x128xf32, #tpu.memory_space<vmem_shared>>) target(%dma_start3A_48 : memref<128x128xf32, #tpu.memory_space<hbm>>) target_semaphore(%run_scoped3A : memref<!tpu.dma_semaphore, #tpu.memory_space<semaphore_mem>>)
      %dma_wait3A = arith.constant 0 : i32
      %dma_wait3A_51 = tpu.memref_slice %arg5[%arg0, %add3A_34, %dma_wait3A] : memref<2x10240x128xf32, #tpu.memory_space<hbm>> -> memref<1x128x128xf32, #tpu.memory_space<hbm>>
      %dma_wait3A_52 = tpu.memref_squeeze %dma_wait3A_51 : memref<1x128x128xf32, #tpu.memory_space<hbm>> -> memref<128x128xf32, #tpu.memory_space<hbm>>
      %dma_wait3A_53 = arith.constant 0 : i32
      %dma_wait3A_54 = tpu.memref_slice %arg9[%add3A_32, %dma_wait3A_53] : memref<10240x128xf32, #tpu.memory_space<vmem_shared>> -> memref<128x128xf32, #tpu.memory_space<vmem_shared>>
      tpu.wait_dma2 semaphore(%run_scoped3A : memref<!tpu.dma_semaphore, #tpu.memory_space<semaphore_mem>>) src(%dma_wait3A_54 : memref<128x128xf32, #tpu.memory_space<vmem_shared>>) dst(%dma_wait3A_52 : memref<128x128xf32, #tpu.memory_space<hbm>>)
      tpu.yield
    }) : () -> ()
    %add3A_35 = arith.constant 256 : i32
    %add3A_36 = arith.addi %mul3A_2, %add3A_35 : i32
    %add3A_37 = arith.constant 256 : i32
    %add3A_38 = arith.addi %mul3A_2, %add3A_37 : i32
    "tpu.region"() ({
      %run_scoped3A = tpu.sem_alloc : memref<!tpu.dma_semaphore, #tpu.memory_space<semaphore_mem>>
      %dma_start3A = arith.constant 0 : i32
      %dma_start3A_47 = tpu.memref_slice %arg5[%arg0, %add3A_38, %dma_start3A] : memref<2x10240x128xf32, #tpu.memory_space<hbm>> -> memref<1x128x128xf32, #tpu.memory_space<hbm>>
      %dma_start3A_48 = tpu.memref_squeeze %dma_start3A_47 : memref<1x128x128xf32, #tpu.memory_space<hbm>> -> memref<128x128xf32, #tpu.memory_space<hbm>>
      %dma_start3A_49 = arith.constant 0 : i32
      %dma_start3A_50 = tpu.memref_slice %arg9[%add3A_36, %dma_start3A_49] : memref<10240x128xf32, #tpu.memory_space<vmem_shared>> -> memref<128x128xf32, #tpu.memory_space<vmem_shared>>
      tpu.enqueue_dma source(%dma_start3A_50 : memref<128x128xf32, #tpu.memory_space<vmem_shared>>) target(%dma_start3A_48 : memref<128x128xf32, #tpu.memory_space<hbm>>) target_semaphore(%run_scoped3A : memref<!tpu.dma_semaphore, #tpu.memory_space<semaphore_mem>>)
      %dma_wait3A = arith.constant 0 : i32
      %dma_wait3A_51 = tpu.memref_slice %arg5[%arg0, %add3A_38, %dma_wait3A] : memref<2x10240x128xf32, #tpu.memory_space<hbm>> -> memref<1x128x128xf32, #tpu.memory_space<hbm>>
      %dma_wait3A_52 = tpu.memref_squeeze %dma_wait3A_51 : memref<1x128x128xf32, #tpu.memory_space<hbm>> -> memref<128x128xf32, #tpu.memory_space<hbm>>
      %dma_wait3A_53 = arith.constant 0 : i32
      %dma_wait3A_54 = tpu.memref_slice %arg9[%add3A_36, %dma_wait3A_53] : memref<10240x128xf32, #tpu.memory_space<vmem_shared>> -> memref<128x128xf32, #tpu.memory_space<vmem_shared>>
      tpu.wait_dma2 semaphore(%run_scoped3A : memref<!tpu.dma_semaphore, #tpu.memory_space<semaphore_mem>>) src(%dma_wait3A_54 : memref<128x128xf32, #tpu.memory_space<vmem_shared>>) dst(%dma_wait3A_52 : memref<128x128xf32, #tpu.memory_space<hbm>>)
      tpu.yield
    }) : () -> ()
    %add3A_39 = arith.constant 384 : i32
    %add3A_40 = arith.addi %mul3A_2, %add3A_39 : i32
    %add3A_41 = arith.constant 384 : i32
    %add3A_42 = arith.addi %mul3A_2, %add3A_41 : i32
    "tpu.region"() ({
      %run_scoped3A = tpu.sem_alloc : memref<!tpu.dma_semaphore, #tpu.memory_space<semaphore_mem>>
      %dma_start3A = arith.constant 0 : i32
      %dma_start3A_47 = tpu.memref_slice %arg5[%arg0, %add3A_42, %dma_start3A] : memref<2x10240x128xf32, #tpu.memory_space<hbm>> -> memref<1x128x128xf32, #tpu.memory_space<hbm>>
      %dma_start3A_48 = tpu.memref_squeeze %dma_start3A_47 : memref<1x128x128xf32, #tpu.memory_space<hbm>> -> memref<128x128xf32, #tpu.memory_space<hbm>>
      %dma_start3A_49 = arith.constant 0 : i32
      %dma_start3A_50 = tpu.memref_slice %arg9[%add3A_40, %dma_start3A_49] : memref<10240x128xf32, #tpu.memory_space<vmem_shared>> -> memref<128x128xf32, #tpu.memory_space<vmem_shared>>
      tpu.enqueue_dma source(%dma_start3A_50 : memref<128x128xf32, #tpu.memory_space<vmem_shared>>) target(%dma_start3A_48 : memref<128x128xf32, #tpu.memory_space<hbm>>) target_semaphore(%run_scoped3A : memref<!tpu.dma_semaphore, #tpu.memory_space<semaphore_mem>>)
      %dma_wait3A = arith.constant 0 : i32
      %dma_wait3A_51 = tpu.memref_slice %arg5[%arg0, %add3A_42, %dma_wait3A] : memref<2x10240x128xf32, #tpu.memory_space<hbm>> -> memref<1x128x128xf32, #tpu.memory_space<hbm>>
      %dma_wait3A_52 = tpu.memref_squeeze %dma_wait3A_51 : memref<1x128x128xf32, #tpu.memory_space<hbm>> -> memref<128x128xf32, #tpu.memory_space<hbm>>
      %dma_wait3A_53 = arith.constant 0 : i32
      %dma_wait3A_54 = tpu.memref_slice %arg9[%add3A_40, %dma_wait3A_53] : memref<10240x128xf32, #tpu.memory_space<vmem_shared>> -> memref<128x128xf32, #tpu.memory_space<vmem_shared>>
      tpu.wait_dma2 semaphore(%run_scoped3A : memref<!tpu.dma_semaphore, #tpu.memory_space<semaphore_mem>>) src(%dma_wait3A_54 : memref<128x128xf32, #tpu.memory_space<vmem_shared>>) dst(%dma_wait3A_52 : memref<128x128xf32, #tpu.memory_space<hbm>>)
      tpu.yield
    }) : () -> ()
    %add3A_43 = arith.constant 512 : i32
    %add3A_44 = arith.addi %mul3A_2, %add3A_43 : i32
    %add3A_45 = arith.constant 512 : i32
    %add3A_46 = arith.addi %mul3A_2, %add3A_45 : i32
    "tpu.region"() ({
      %run_scoped3A = tpu.sem_alloc : memref<!tpu.dma_semaphore, #tpu.memory_space<semaphore_mem>>
      %dma_start3A = arith.constant 0 : i32
      %dma_start3A_47 = tpu.memref_slice %arg5[%arg0, %add3A_46, %dma_start3A] : memref<2x10240x128xf32, #tpu.memory_space<hbm>> -> memref<1x128x128xf32, #tpu.memory_space<hbm>>
      %dma_start3A_48 = tpu.memref_squeeze %dma_start3A_47 : memref<1x128x128xf32, #tpu.memory_space<hbm>> -> memref<128x128xf32, #tpu.memory_space<hbm>>
      %dma_start3A_49 = arith.constant 0 : i32
      %dma_start3A_50 = tpu.memref_slice %arg9[%add3A_44, %dma_start3A_49] : memref<10240x128xf32, #tpu.memory_space<vmem_shared>> -> memref<128x128xf32, #tpu.memory_space<vmem_shared>>
      tpu.enqueue_dma source(%dma_start3A_50 : memref<128x128xf32, #tpu.memory_space<vmem_shared>>) target(%dma_start3A_48 : memref<128x128xf32, #tpu.memory_space<hbm>>) target_semaphore(%run_scoped3A : memref<!tpu.dma_semaphore, #tpu.memory_space<semaphore_mem>>)
      %dma_wait3A = arith.constant 0 : i32
      %dma_wait3A_51 = tpu.memref_slice %arg5[%arg0, %add3A_46, %dma_wait3A] : memref<2x10240x128xf32, #tpu.memory_space<hbm>> -> memref<1x128x128xf32, #tpu.memory_space<hbm>>
      %dma_wait3A_52 = tpu.memref_squeeze %dma_wait3A_51 : memref<1x128x128xf32, #tpu.memory_space<hbm>> -> memref<128x128xf32, #tpu.memory_space<hbm>>
      %dma_wait3A_53 = arith.constant 0 : i32
      %dma_wait3A_54 = tpu.memref_slice %arg9[%add3A_44, %dma_wait3A_53] : memref<10240x128xf32, #tpu.memory_space<vmem_shared>> -> memref<128x128xf32, #tpu.memory_space<vmem_shared>>
      tpu.wait_dma2 semaphore(%run_scoped3A : memref<!tpu.dma_semaphore, #tpu.memory_space<semaphore_mem>>) src(%dma_wait3A_54 : memref<128x128xf32, #tpu.memory_space<vmem_shared>>) dst(%dma_wait3A_52 : memref<128x128xf32, #tpu.memory_space<hbm>>)
      tpu.yield
    }) : () -> ()
    return
  }
}

#map = affine_map<(d0, d1) -> (0, 0, 0)>
module attributes {stable_mosaic.version = 14 : i64} {
  func.func @_sc_degree_body(%arg0: i32, %arg1: i32, %arg2: memref<32x79x128xi32, #tpu.memory_space<hbm>>, %arg3: memref<2x10240x16xf32, #tpu.memory_space<hbm>>, %arg4: memref<79x128xi32, #tpu.memory_space<vmem>>, %arg5: memref<128x16xf32, #tpu.memory_space<vmem>>, %arg6: memref<10240x16xf32, #tpu.memory_space<vmem_shared>>) attributes {dimension_semantics = [#tpu.dimension_semantics<core_parallel>, #tpu.dimension_semantics<subcore_parallel>], iteration_bounds = array<i64: 2, 16>, scalar_prefetch = 0 : i64, scratch_operands = 3 : i64, tpu.core_type = #tpu.core_type<sc_vector_subcore>, window_params = [{transform_indices = #map}, {transform_indices = #map}]} {
    %mul3A = arith.constant 2 : i32
    %mul3A_0 = arith.muli %arg1, %mul3A : i32
    %add3A = arith.addi %mul3A_0, %arg0 : i32
    %mul3A_1 = arith.constant 640 : i32
    %mul3A_2 = arith.muli %arg1, %mul3A_1 : i32
    %scan3A = arith.constant 0 : i32
    %scan3A_3 = arith.constant 0 : i32
    %scan3A_4 = arith.constant 128 : i32
    %scan3A_5 = arith.addi %scan3A_3, %scan3A_4 : i32
    %scan3A_6 = arith.constant 1 : i32
    %scan3A_7 = scf.for %scan3A_34 = %scan3A_3 to %scan3A_5 step %scan3A_6 iter_args(%scan3A_35 = %scan3A) -> (i32)  : i32 {
      %broadcast_in_dim3A = arith.constant 0.000000e+00 : f32
      %broadcast_in_dim3A_36 = vector.broadcast %broadcast_in_dim3A : f32 to vector<16xf32>
      %swap3A = arith.index_cast %scan3A_34 : i32 to index
      %swap3A_37 = arith.constant 0 : index
      %swap3A_38 = tpu.vector_load %arg5[%swap3A, %swap3A_37] {strides = array<i32>} : memref<128x16xf32, #tpu.memory_space<vmem>>, vector<1x16xf32>,
      %swap3A_39 = vector.shape_cast %swap3A_38 : vector<1x16xf32> to vector<16xf32>
      %swap3A_40 = vector.shape_cast %broadcast_in_dim3A_36 : vector<16xf32> to vector<1x16xf32>
      tpu.vector_store %arg5[%swap3A, %swap3A_37], %swap3A_40 {strides = array<i32>} : memref<128x16xf32, #tpu.memory_space<vmem>>, vector<1x16xf32>,
      %scan3A_41 = arith.constant 0 : i32
      scf.yield %scan3A_41 : i32
    }
    %scan3A_8 = arith.constant 128 : i32
    %add3A_9 = arith.constant 0 : i32
    %add3A_10 = arith.addi %mul3A_2, %add3A_9 : i32
    "tpu.region"() ({
      %run_scoped3A = tpu.sem_alloc : memref<!tpu.dma_semaphore, #tpu.memory_space<semaphore_mem>>
      %dma_start3A = arith.constant 0 : i32
      %dma_start3A_34 = tpu.memref_slice %arg6[%add3A_10, %dma_start3A] : memref<10240x16xf32, #tpu.memory_space<vmem_shared>> -> memref<128x16xf32, #tpu.memory_space<vmem_shared>>
      %dma_start3A_35 = arith.constant 0 : i32
      %dma_start3A_36 = tpu.memref_slice %arg6[%add3A_10, %dma_start3A_35] : memref<10240x16xf32, #tpu.memory_space<vmem_shared>> -> memref<128x16xf32, #tpu.memory_space<vmem_shared>>
      tpu.enqueue_dma source(%arg5 : memref<128x16xf32, #tpu.memory_space<vmem>>) target(%dma_start3A_36 : memref<128x16xf32, #tpu.memory_space<vmem_shared>>) target_semaphore(%run_scoped3A : memref<!tpu.dma_semaphore, #tpu.memory_space<semaphore_mem>>)
      %dma_wait3A = arith.constant 0 : i32
      %dma_wait3A_37 = tpu.memref_slice %arg6[%add3A_10, %dma_wait3A] : memref<10240x16xf32, #tpu.memory_space<vmem_shared>> -> memref<128x16xf32, #tpu.memory_space<vmem_shared>>
      %dma_wait3A_38 = arith.constant 0 : i32
      %dma_wait3A_39 = tpu.memref_slice %arg6[%add3A_10, %dma_wait3A_38] : memref<10240x16xf32, #tpu.memory_space<vmem_shared>> -> memref<128x16xf32, #tpu.memory_space<vmem_shared>>
      tpu.wait_dma2 semaphore(%run_scoped3A : memref<!tpu.dma_semaphore, #tpu.memory_space<semaphore_mem>>) src(%arg5 : memref<128x16xf32, #tpu.memory_space<vmem>>) dst(%dma_wait3A_39 : memref<128x16xf32, #tpu.memory_space<vmem_shared>>)
      tpu.yield
    }) : () -> ()
    %add3A_11 = arith.constant 128 : i32
    %add3A_12 = arith.addi %mul3A_2, %add3A_11 : i32
    "tpu.region"() ({
      %run_scoped3A = tpu.sem_alloc : memref<!tpu.dma_semaphore, #tpu.memory_space<semaphore_mem>>
      %dma_start3A = arith.constant 0 : i32
      %dma_start3A_34 = tpu.memref_slice %arg6[%add3A_12, %dma_start3A] : memref<10240x16xf32, #tpu.memory_space<vmem_shared>> -> memref<128x16xf32, #tpu.memory_space<vmem_shared>>
      %dma_start3A_35 = arith.constant 0 : i32
      %dma_start3A_36 = tpu.memref_slice %arg6[%add3A_12, %dma_start3A_35] : memref<10240x16xf32, #tpu.memory_space<vmem_shared>> -> memref<128x16xf32, #tpu.memory_space<vmem_shared>>
      tpu.enqueue_dma source(%arg5 : memref<128x16xf32, #tpu.memory_space<vmem>>) target(%dma_start3A_36 : memref<128x16xf32, #tpu.memory_space<vmem_shared>>) target_semaphore(%run_scoped3A : memref<!tpu.dma_semaphore, #tpu.memory_space<semaphore_mem>>)
      %dma_wait3A = arith.constant 0 : i32
      %dma_wait3A_37 = tpu.memref_slice %arg6[%add3A_12, %dma_wait3A] : memref<10240x16xf32, #tpu.memory_space<vmem_shared>> -> memref<128x16xf32, #tpu.memory_space<vmem_shared>>
      %dma_wait3A_38 = arith.constant 0 : i32
      %dma_wait3A_39 = tpu.memref_slice %arg6[%add3A_12, %dma_wait3A_38] : memref<10240x16xf32, #tpu.memory_space<vmem_shared>> -> memref<128x16xf32, #tpu.memory_space<vmem_shared>>
      tpu.wait_dma2 semaphore(%run_scoped3A : memref<!tpu.dma_semaphore, #tpu.memory_space<semaphore_mem>>) src(%arg5 : memref<128x16xf32, #tpu.memory_space<vmem>>) dst(%dma_wait3A_39 : memref<128x16xf32, #tpu.memory_space<vmem_shared>>)
      tpu.yield
    }) : () -> ()
    %add3A_13 = arith.constant 256 : i32
    %add3A_14 = arith.addi %mul3A_2, %add3A_13 : i32
    "tpu.region"() ({
      %run_scoped3A = tpu.sem_alloc : memref<!tpu.dma_semaphore, #tpu.memory_space<semaphore_mem>>
      %dma_start3A = arith.constant 0 : i32
      %dma_start3A_34 = tpu.memref_slice %arg6[%add3A_14, %dma_start3A] : memref<10240x16xf32, #tpu.memory_space<vmem_shared>> -> memref<128x16xf32, #tpu.memory_space<vmem_shared>>
      %dma_start3A_35 = arith.constant 0 : i32
      %dma_start3A_36 = tpu.memref_slice %arg6[%add3A_14, %dma_start3A_35] : memref<10240x16xf32, #tpu.memory_space<vmem_shared>> -> memref<128x16xf32, #tpu.memory_space<vmem_shared>>
      tpu.enqueue_dma source(%arg5 : memref<128x16xf32, #tpu.memory_space<vmem>>) target(%dma_start3A_36 : memref<128x16xf32, #tpu.memory_space<vmem_shared>>) target_semaphore(%run_scoped3A : memref<!tpu.dma_semaphore, #tpu.memory_space<semaphore_mem>>)
      %dma_wait3A = arith.constant 0 : i32
      %dma_wait3A_37 = tpu.memref_slice %arg6[%add3A_14, %dma_wait3A] : memref<10240x16xf32, #tpu.memory_space<vmem_shared>> -> memref<128x16xf32, #tpu.memory_space<vmem_shared>>
      %dma_wait3A_38 = arith.constant 0 : i32
      %dma_wait3A_39 = tpu.memref_slice %arg6[%add3A_14, %dma_wait3A_38] : memref<10240x16xf32, #tpu.memory_space<vmem_shared>> -> memref<128x16xf32, #tpu.memory_space<vmem_shared>>
      tpu.wait_dma2 semaphore(%run_scoped3A : memref<!tpu.dma_semaphore, #tpu.memory_space<semaphore_mem>>) src(%arg5 : memref<128x16xf32, #tpu.memory_space<vmem>>) dst(%dma_wait3A_39 : memref<128x16xf32, #tpu.memory_space<vmem_shared>>)
      tpu.yield
    }) : () -> ()
    %add3A_15 = arith.constant 384 : i32
    %add3A_16 = arith.addi %mul3A_2, %add3A_15 : i32
    "tpu.region"() ({
      %run_scoped3A = tpu.sem_alloc : memref<!tpu.dma_semaphore, #tpu.memory_space<semaphore_mem>>
      %dma_start3A = arith.constant 0 : i32
      %dma_start3A_34 = tpu.memref_slice %arg6[%add3A_16, %dma_start3A] : memref<10240x16xf32, #tpu.memory_space<vmem_shared>> -> memref<128x16xf32, #tpu.memory_space<vmem_shared>>
      %dma_start3A_35 = arith.constant 0 : i32
      %dma_start3A_36 = tpu.memref_slice %arg6[%add3A_16, %dma_start3A_35] : memref<10240x16xf32, #tpu.memory_space<vmem_shared>> -> memref<128x16xf32, #tpu.memory_space<vmem_shared>>
      tpu.enqueue_dma source(%arg5 : memref<128x16xf32, #tpu.memory_space<vmem>>) target(%dma_start3A_36 : memref<128x16xf32, #tpu.memory_space<vmem_shared>>) target_semaphore(%run_scoped3A : memref<!tpu.dma_semaphore, #tpu.memory_space<semaphore_mem>>)
      %dma_wait3A = arith.constant 0 : i32
      %dma_wait3A_37 = tpu.memref_slice %arg6[%add3A_16, %dma_wait3A] : memref<10240x16xf32, #tpu.memory_space<vmem_shared>> -> memref<128x16xf32, #tpu.memory_space<vmem_shared>>
      %dma_wait3A_38 = arith.constant 0 : i32
      %dma_wait3A_39 = tpu.memref_slice %arg6[%add3A_16, %dma_wait3A_38] : memref<10240x16xf32, #tpu.memory_space<vmem_shared>> -> memref<128x16xf32, #tpu.memory_space<vmem_shared>>
      tpu.wait_dma2 semaphore(%run_scoped3A : memref<!tpu.dma_semaphore, #tpu.memory_space<semaphore_mem>>) src(%arg5 : memref<128x16xf32, #tpu.memory_space<vmem>>) dst(%dma_wait3A_39 : memref<128x16xf32, #tpu.memory_space<vmem_shared>>)
      tpu.yield
    }) : () -> ()
    %add3A_17 = arith.constant 512 : i32
    %add3A_18 = arith.addi %mul3A_2, %add3A_17 : i32
    "tpu.region"() ({
      %run_scoped3A = tpu.sem_alloc : memref<!tpu.dma_semaphore, #tpu.memory_space<semaphore_mem>>
      %dma_start3A = arith.constant 0 : i32
      %dma_start3A_34 = tpu.memref_slice %arg6[%add3A_18, %dma_start3A] : memref<10240x16xf32, #tpu.memory_space<vmem_shared>> -> memref<128x16xf32, #tpu.memory_space<vmem_shared>>
      %dma_start3A_35 = arith.constant 0 : i32
      %dma_start3A_36 = tpu.memref_slice %arg6[%add3A_18, %dma_start3A_35] : memref<10240x16xf32, #tpu.memory_space<vmem_shared>> -> memref<128x16xf32, #tpu.memory_space<vmem_shared>>
      tpu.enqueue_dma source(%arg5 : memref<128x16xf32, #tpu.memory_space<vmem>>) target(%dma_start3A_36 : memref<128x16xf32, #tpu.memory_space<vmem_shared>>) target_semaphore(%run_scoped3A : memref<!tpu.dma_semaphore, #tpu.memory_space<semaphore_mem>>)
      %dma_wait3A = arith.constant 0 : i32
      %dma_wait3A_37 = tpu.memref_slice %arg6[%add3A_18, %dma_wait3A] : memref<10240x16xf32, #tpu.memory_space<vmem_shared>> -> memref<128x16xf32, #tpu.memory_space<vmem_shared>>
      %dma_wait3A_38 = arith.constant 0 : i32
      %dma_wait3A_39 = tpu.memref_slice %arg6[%add3A_18, %dma_wait3A_38] : memref<10240x16xf32, #tpu.memory_space<vmem_shared>> -> memref<128x16xf32, #tpu.memory_space<vmem_shared>>
      tpu.wait_dma2 semaphore(%run_scoped3A : memref<!tpu.dma_semaphore, #tpu.memory_space<semaphore_mem>>) src(%arg5 : memref<128x16xf32, #tpu.memory_space<vmem>>) dst(%dma_wait3A_39 : memref<128x16xf32, #tpu.memory_space<vmem_shared>>)
      tpu.yield
    }) : () -> ()
    %scan3A_19 = arith.constant 0 : i32
    %scan3A_20 = arith.constant 0 : i32
    %scan3A_21 = arith.constant 128 : i32
    %scan3A_22 = arith.addi %scan3A_20, %scan3A_21 : i32
    %scan3A_23 = arith.constant 1 : i32
    %scan3A_24 = scf.for %scan3A_34 = %scan3A_20 to %scan3A_22 step %scan3A_23 iter_args(%scan3A_35 = %scan3A_19) -> (i32)  : i32 {
      %broadcast_in_dim3A = arith.constant 1.000000e+00 : f32
      %broadcast_in_dim3A_36 = vector.broadcast %broadcast_in_dim3A : f32 to vector<16xf32>
      %swap3A = arith.index_cast %scan3A_34 : i32 to index
      %swap3A_37 = arith.constant 0 : index
      %swap3A_38 = tpu.vector_load %arg5[%swap3A, %swap3A_37] {strides = array<i32>} : memref<128x16xf32, #tpu.memory_space<vmem>>, vector<1x16xf32>,
      %swap3A_39 = vector.shape_cast %swap3A_38 : vector<1x16xf32> to vector<16xf32>
      %swap3A_40 = vector.shape_cast %broadcast_in_dim3A_36 : vector<16xf32> to vector<1x16xf32>
      tpu.vector_store %arg5[%swap3A, %swap3A_37], %swap3A_40 {strides = array<i32>} : memref<128x16xf32, #tpu.memory_space<vmem>>, vector<1x16xf32>,
      %scan3A_41 = arith.constant 0 : i32
      scf.yield %scan3A_41 : i32
    }
    %scan3A_25 = arith.constant 128 : i32
    %barrier3A = arith.constant 0 : index
    tpu.barrier barrier_id(%barrier3A)
    "tpu.region"() ({
      %run_scoped3A = tpu.sem_alloc : memref<!tpu.dma_semaphore, #tpu.memory_space<semaphore_mem>>
      %dma_start3A = arith.constant 0 : i32
      %dma_start3A_34 = arith.constant 0 : i32
      %dma_start3A_35 = tpu.memref_slice %arg2[%add3A, %dma_start3A, %dma_start3A_34] : memref<32x79x128xi32, #tpu.memory_space<hbm>> -> memref<1x79x128xi32, #tpu.memory_space<hbm>>
      %dma_start3A_36 = tpu.memref_squeeze %dma_start3A_35 : memref<1x79x128xi32, #tpu.memory_space<hbm>> -> memref<79x128xi32, #tpu.memory_space<hbm>>
      %dma_start3A_37 = arith.constant 0 : i32
      %dma_start3A_38 = arith.constant 0 : i32
      %dma_start3A_39 = tpu.memref_slice %arg2[%add3A, %dma_start3A_37, %dma_start3A_38] : memref<32x79x128xi32, #tpu.memory_space<hbm>> -> memref<1x79x128xi32, #tpu.memory_space<hbm>>
      %dma_start3A_40 = tpu.memref_squeeze %dma_start3A_39 : memref<1x79x128xi32, #tpu.memory_space<hbm>> -> memref<79x128xi32, #tpu.memory_space<hbm>>
      tpu.enqueue_dma source(%dma_start3A_40 : memref<79x128xi32, #tpu.memory_space<hbm>>) target(%arg4 : memref<79x128xi32, #tpu.memory_space<vmem>>) target_semaphore(%run_scoped3A : memref<!tpu.dma_semaphore, #tpu.memory_space<semaphore_mem>>)
      %dma_wait3A = arith.constant 0 : i32
      %dma_wait3A_41 = arith.constant 0 : i32
      %dma_wait3A_42 = tpu.memref_slice %arg2[%add3A, %dma_wait3A, %dma_wait3A_41] : memref<32x79x128xi32, #tpu.memory_space<hbm>> -> memref<1x79x128xi32, #tpu.memory_space<hbm>>
      %dma_wait3A_43 = tpu.memref_squeeze %dma_wait3A_42 : memref<1x79x128xi32, #tpu.memory_space<hbm>> -> memref<79x128xi32, #tpu.memory_space<hbm>>
      %dma_wait3A_44 = arith.constant 0 : i32
      %dma_wait3A_45 = arith.constant 0 : i32
      %dma_wait3A_46 = tpu.memref_slice %arg2[%add3A, %dma_wait3A_44, %dma_wait3A_45] : memref<32x79x128xi32, #tpu.memory_space<hbm>> -> memref<1x79x128xi32, #tpu.memory_space<hbm>>
      %dma_wait3A_47 = tpu.memref_squeeze %dma_wait3A_46 : memref<1x79x128xi32, #tpu.memory_space<hbm>> -> memref<79x128xi32, #tpu.memory_space<hbm>>
      tpu.wait_dma2 semaphore(%run_scoped3A : memref<!tpu.dma_semaphore, #tpu.memory_space<semaphore_mem>>) src(%dma_wait3A_47 : memref<79x128xi32, #tpu.memory_space<hbm>>) dst(%arg4 : memref<79x128xi32, #tpu.memory_space<vmem>>)
      tpu.yield
    }) : () -> ()
    %scan3A_26 = arith.constant 0 : i32
    %scan3A_27 = arith.constant 0 : i32
    %scan3A_28 = arith.constant 79 : i32
    %scan3A_29 = arith.addi %scan3A_27, %scan3A_28 : i32
    %scan3A_30 = arith.constant 1 : i32
    %scan3A_31 = scf.for %scan3A_34 = %scan3A_27 to %scan3A_29 step %scan3A_30 iter_args(%scan3A_35 = %scan3A_26) -> (i32)  : i32 {
      "tpu.region"() ({
        %run_scoped3A = tpu.sem_alloc : memref<!tpu.dma_semaphore, #tpu.memory_space<semaphore_mem>>
        %dma_start3A = arith.constant 0 : i32
        %dma_start3A_37 = tpu.memref_slice %arg4[%scan3A_34, %dma_start3A] : memref<79x128xi32, #tpu.memory_space<vmem>> -> memref<1x128xi32, #tpu.memory_space<vmem>>
        %dma_start3A_38 = tpu.memref_squeeze %dma_start3A_37 : memref<1x128xi32, #tpu.memory_space<vmem>> -> memref<128xi32, #tpu.memory_space<vmem>>
        %dma_start3A_39 = arith.constant 0 : i32
        %dma_start3A_40 = arith.constant 0 : i32
        %dma_start3A_41 = tpu.memref_slice %arg6[%dma_start3A_39, %dma_start3A_40] : memref<10240x16xf32, #tpu.memory_space<vmem_shared>> -> memref<10240x16xf32, #tpu.memory_space<vmem_shared>>
        tpu.enqueue_indirect_dma source(%arg5 : memref<128x16xf32, #tpu.memory_space<vmem>>) target(%dma_start3A_41 : memref<10240x16xf32, #tpu.memory_space<vmem_shared>>) offsets(%dma_start3A_38 : memref<128xi32, #tpu.memory_space<vmem>>) semaphore(%run_scoped3A : memref<!tpu.dma_semaphore, #tpu.memory_space<semaphore_mem>>) {add = true}
        %dma_wait3A = arith.constant 0 : i32
        %dma_wait3A_42 = tpu.memref_slice %arg4[%scan3A_34, %dma_wait3A] : memref<79x128xi32, #tpu.memory_space<vmem>> -> memref<1x128xi32, #tpu.memory_space<vmem>>
        %dma_wait3A_43 = tpu.memref_squeeze %dma_wait3A_42 : memref<1x128xi32, #tpu.memory_space<vmem>> -> memref<128xi32, #tpu.memory_space<vmem>>
        %dma_wait3A_44 = arith.constant 0 : i32
        %dma_wait3A_45 = arith.constant 0 : i32
        %dma_wait3A_46 = tpu.memref_slice %arg6[%dma_wait3A_44, %dma_wait3A_45] : memref<10240x16xf32, #tpu.memory_space<vmem_shared>> -> memref<10240x16xf32, #tpu.memory_space<vmem_shared>>
        tpu.wait_indirect_dma semaphore(%run_scoped3A : memref<!tpu.dma_semaphore, #tpu.memory_space<semaphore_mem>>) src(%arg5 : memref<128x16xf32, #tpu.memory_space<vmem>>) dst(%dma_wait3A_46 : memref<10240x16xf32, #tpu.memory_space<vmem_shared>>)
        tpu.yield
      }) : () -> ()
      %scan3A_36 = arith.constant 0 : i32
      scf.yield %scan3A_36 : i32
    }
    %scan3A_32 = arith.constant 79 : i32
    %barrier3A_33 = arith.constant 0 : index
    tpu.barrier barrier_id(%barrier3A_33)
    "tpu.region"() ({
      %run_scoped3A = tpu.sem_alloc : memref<!tpu.dma_semaphore, #tpu.memory_space<semaphore_mem>>
      %dma_start3A = arith.constant 0 : i32
      %dma_start3A_34 = tpu.memref_slice %arg3[%arg0, %mul3A_2, %dma_start3A] : memref<2x10240x16xf32, #tpu.memory_space<hbm>> -> memref<1x640x16xf32, #tpu.memory_space<hbm>>
      %dma_start3A_35 = tpu.memref_squeeze %dma_start3A_34 : memref<1x640x16xf32, #tpu.memory_space<hbm>> -> memref<640x16xf32, #tpu.memory_space<hbm>>
      %dma_start3A_36 = arith.constant 0 : i32
      %dma_start3A_37 = tpu.memref_slice %arg6[%mul3A_2, %dma_start3A_36] : memref<10240x16xf32, #tpu.memory_space<vmem_shared>> -> memref<640x16xf32, #tpu.memory_space<vmem_shared>>
      tpu.enqueue_dma source(%dma_start3A_37 : memref<640x16xf32, #tpu.memory_space<vmem_shared>>) target(%dma_start3A_35 : memref<640x16xf32, #tpu.memory_space<hbm>>) target_semaphore(%run_scoped3A : memref<!tpu.dma_semaphore, #tpu.memory_space<semaphore_mem>>)
      %dma_wait3A = arith.constant 0 : i32
      %dma_wait3A_38 = tpu.memref_slice %arg3[%arg0, %mul3A_2, %dma_wait3A] : memref<2x10240x16xf32, #tpu.memory_space<hbm>> -> memref<1x640x16xf32, #tpu.memory_space<hbm>>
      %dma_wait3A_39 = tpu.memref_squeeze %dma_wait3A_38 : memref<1x640x16xf32, #tpu.memory_space<hbm>> -> memref<640x16xf32, #tpu.memory_space<hbm>>
      %dma_wait3A_40 = arith.constant 0 : i32
      %dma_wait3A_41 = tpu.memref_slice %arg6[%mul3A_2, %dma_wait3A_40] : memref<10240x16xf32, #tpu.memory_space<vmem_shared>> -> memref<640x16xf32, #tpu.memory_space<vmem_shared>>
      tpu.wait_dma2 semaphore(%run_scoped3A : memref<!tpu.dma_semaphore, #tpu.memory_space<semaphore_mem>>) src(%dma_wait3A_41 : memref<640x16xf32, #tpu.memory_space<vmem_shared>>) dst(%dma_wait3A_39 : memref<640x16xf32, #tpu.memory_space<hbm>>)
      tpu.yield
    }) : () -> ()
    return
  }
}

module attributes {stable_mosaic.version = 14 : i64} {
  func.func @_tc_prep_body(%arg0: i32, %arg1: memref<256x128xf32, #tpu.memory_space<vmem>>, %arg2: memref<128x128xf32, #tpu.memory_space<vmem>>, %arg3: memref<2x256x16xf32, #tpu.memory_space<vmem>>, %arg4: memref<256x128xf32, #tpu.memory_space<vmem>>, %arg5: memref<256x128xf32, #tpu.memory_space<vmem>>) attributes {dimension_semantics = [#tpu.dimension_semantics<arbitrary>], iteration_bounds = array<i64: 40>, scalar_prefetch = 0 : i64, scratch_operands = 0 : i64, tpu.core_type = #tpu.core_type<tc>, window_params = [{transform_indices = @transform_0, window_bounds = array<i64: 256, 128>}, {pipeline_mode = #tpu.pipeline_mode<synchronous>, transform_indices = @transform_1, window_bounds = array<i64: 128, 128>}, {transform_indices = @transform_2, window_bounds = array<i64: 2, 256, 16>}, {transform_indices = @transform_3, window_bounds = array<i64: 256, 128>}, {transform_indices = @transform_4, window_bounds = array<i64: 256, 128>}]} {
    %get3A = arith.constant 0 : index
    %get3A_0 = arith.constant 0 : index
    %get3A_1 = vector.load %arg1[%get3A, %get3A_0] : memref<256x128xf32, #tpu.memory_space<vmem>>, vector<256x128xf32>
    %get3A_2 = arith.constant 0 : index
    %get3A_3 = arith.constant 0 : index
    %get3A_4 = vector.load %arg2[%get3A_2, %get3A_3] : memref<128x128xf32, #tpu.memory_space<vmem>>, vector<128x128xf32>
    %dot_general3A = arith.constant dense<0.000000e+00> : vector<256x128xf32>
    %dot_general3A_5 = tpu.matmul %get3A_1, %get3A_4, %dot_general3A {dimension_numbers = #tpu.dot_dimension_numbers<[1], [0], [0], [1], [0, 0, 1, 1], [], []>, transpose_lhs_hint = false} : vector<256x128xf32>, vector<128x128xf32>, vector<256x128xf32> -> vector<256x128xf32>
    %get3A_6 = arith.constant 0 : index
    %get3A_7 = arith.constant 0 : index
    %get3A_8 = arith.constant 0 : index
    %get3A_9 = vector.load %arg3[%get3A_6, %get3A_7, %get3A_8] : memref<2x256x16xf32, #tpu.memory_space<vmem>>, vector<1x256x16xf32>
    %get3A_10 = vector.shape_cast %get3A_9 : vector<1x256x16xf32> to vector<256x16xf32>
    %get3A_11 = arith.constant 1 : index
    %get3A_12 = arith.constant 0 : index
    %get3A_13 = arith.constant 0 : index
    %get3A_14 = vector.load %arg3[%get3A_11, %get3A_12, %get3A_13] : memref<2x256x16xf32, #tpu.memory_space<vmem>>, vector<1x256x16xf32>
    %get3A_15 = vector.shape_cast %get3A_14 : vector<1x256x16xf32> to vector<256x16xf32>
    %add3A = arith.addf %get3A_10, %get3A_15 : vector<256x16xf32>
    %slice3A = vector.extract_strided_slice %add3A {offsets = [0, 0], sizes = [256, 1], strides = [1, 1]} : vector<256x16xf32> to vector<256x1xf32>
    %add3A_16 = arith.constant 1.000000e+00 : f32
    %add3A_17 = vector.broadcast %add3A_16 : f32 to vector<256x1xf32>
    %add3A_18 = arith.addf %slice3A, %add3A_17 : vector<256x1xf32>
    %rsqrt3A = math.rsqrt %add3A_18 : vector<256x1xf32>
    %mul3A = vector.broadcast %rsqrt3A : vector<256x1xf32> to vector<256x128xf32>
    %mul3A_19 = arith.mulf %dot_general3A_5, %mul3A : vector<256x128xf32>
    %swap3A = arith.constant 0 : index
    %swap3A_20 = arith.constant 0 : index
    %swap3A_21 = vector.load %arg4[%swap3A, %swap3A_20] : memref<256x128xf32, #tpu.memory_space<vmem>>, vector<256x128xf32>
    tpu.vector_store %arg4[%swap3A, %swap3A_20], %mul3A_19 {strides = array<i32>} : memref<256x128xf32, #tpu.memory_space<vmem>>, vector<256x128xf32>,
    %broadcast_in_dim3A = vector.shape_cast %rsqrt3A : vector<256x1xf32> to vector<256x1xf32>
    %broadcast_in_dim3A_22 = vector.broadcast %broadcast_in_dim3A : vector<256x1xf32> to vector<256x128xf32>
    %swap3A_23 = arith.constant 0 : index
    %swap3A_24 = arith.constant 0 : index
    %swap3A_25 = vector.load %arg5[%swap3A_23, %swap3A_24] : memref<256x128xf32, #tpu.memory_space<vmem>>, vector<256x128xf32>
    tpu.vector_store %arg5[%swap3A_23, %swap3A_24], %broadcast_in_dim3A_22 {strides = array<i32>} : memref<256x128xf32, #tpu.memory_space<vmem>>, vector<256x128xf32>,
    return
  }
  func.func @transform_0(%arg0: i32) -> (i32, i32) {
    %c0_i32 = arith.constant 0 : i32
    %c0_i32_0 = arith.constant 0 : i32
    return %arg0, %c0_i32 : i32, i32
  }
  func.func @transform_1(%arg0: i32) -> (i32, i32) {
    %c0_i32 = arith.constant 0 : i32
    %c0_i32_0 = arith.constant 0 : i32
    %c0_i32_1 = arith.constant 0 : i32
    return %c0_i32, %c0_i32_0 : i32, i32
  }
  func.func @transform_2(%arg0: i32) -> (i32, i32, i32) {
    %c0_i32 = arith.constant 0 : i32
    %c0_i32_0 = arith.constant 0 : i32
    %c0_i32_1 = arith.constant 0 : i32
    return %c0_i32, %arg0, %c0_i32_0 : i32, i32, i32
  }
  func.func @transform_3(%arg0: i32) -> (i32, i32) {
    %c0_i32 = arith.constant 0 : i32
    %c0_i32_0 = arith.constant 0 : i32
    return %arg0, %c0_i32 : i32, i32
  }
  func.func @transform_4(%arg0: i32) -> (i32, i32) {
    %c0_i32 = arith.constant 0 : i32
    %c0_i32_0 = arith.constant 0 : i32
    return %arg0, %c0_i32 : i32, i32
  }
}

module attributes {stable_mosaic.version = 14 : i64} {
  func.func @_tc_final_body(%arg0: i32, %arg1: memref<2x256x128xf32, #tpu.memory_space<vmem>>, %arg2: memref<256x128xf32, #tpu.memory_space<vmem>>, %arg3: memref<256x128xf32, #tpu.memory_space<vmem>>, %arg4: memref<1x128xf32, #tpu.memory_space<vmem>>, %arg5: memref<3x128x512xf32, #tpu.memory_space<vmem>>, %arg6: memref<3x512xf32, #tpu.memory_space<vmem>>, %arg7: memref<3x512xf32, #tpu.memory_space<vmem>>, %arg8: memref<128x128xf32, #tpu.memory_space<vmem>>, %arg9: memref<1x128xf32, #tpu.memory_space<vmem>>, %arg10: memref<256x128xf32, #tpu.memory_space<vmem>>) attributes {dimension_semantics = [#tpu.dimension_semantics<arbitrary>], iteration_bounds = array<i64: 40>, scalar_prefetch = 0 : i64, scratch_operands = 0 : i64, tpu.core_type = #tpu.core_type<tc>, window_params = [{transform_indices = @transform_0, window_bounds = array<i64: 2, 256, 128>}, {transform_indices = @transform_1, window_bounds = array<i64: 256, 128>}, {transform_indices = @transform_2, window_bounds = array<i64: 256, 128>}, {pipeline_mode = #tpu.pipeline_mode<synchronous>, transform_indices = @transform_3, window_bounds = array<i64: 1, 128>}, {pipeline_mode = #tpu.pipeline_mode<synchronous>, transform_indices = @transform_4, window_bounds = array<i64: 3, 128, 512>}, {pipeline_mode = #tpu.pipeline_mode<synchronous>, transform_indices = @transform_5, window_bounds = array<i64: 3, 512>}, {pipeline_mode = #tpu.pipeline_mode<synchronous>, transform_indices = @transform_6, window_bounds = array<i64: 3, 512>}, {pipeline_mode = #tpu.pipeline_mode<synchronous>, transform_indices = @transform_7, window_bounds = array<i64: 128, 128>}, {pipeline_mode = #tpu.pipeline_mode<synchronous>, transform_indices = @transform_8, window_bounds = array<i64: 1, 128>}, {transform_indices = @transform_9, window_bounds = array<i64: 256, 128>}]} {
    %get3A = arith.constant 0 : index
    %get3A_0 = arith.constant 0 : index
    %get3A_1 = arith.constant 0 : index
    %get3A_2 = vector.load %arg1[%get3A, %get3A_0, %get3A_1] : memref<2x256x128xf32, #tpu.memory_space<vmem>>, vector<1x256x128xf32>
    %get3A_3 = vector.shape_cast %get3A_2 : vector<1x256x128xf32> to vector<256x128xf32>
    %get3A_4 = arith.constant 1 : index
    %get3A_5 = arith.constant 0 : index
    %get3A_6 = arith.constant 0 : index
    %get3A_7 = vector.load %arg1[%get3A_4, %get3A_5, %get3A_6] : memref<2x256x128xf32, #tpu.memory_space<vmem>>, vector<1x256x128xf32>
    %get3A_8 = vector.shape_cast %get3A_7 : vector<1x256x128xf32> to vector<256x128xf32>
    %add3A = arith.addf %get3A_3, %get3A_8 : vector<256x128xf32>
    %get3A_9 = arith.constant 0 : index
    %get3A_10 = arith.constant 0 : index
    %get3A_11 = vector.load %arg2[%get3A_9, %get3A_10] : memref<256x128xf32, #tpu.memory_space<vmem>>, vector<256x128xf32>
    %add3A_12 = arith.addf %add3A, %get3A_11 : vector<256x128xf32>
    %get3A_13 = arith.constant 0 : index
    %get3A_14 = arith.constant 0 : index
    %get3A_15 = vector.load %arg3[%get3A_13, %get3A_14] : memref<256x128xf32, #tpu.memory_space<vmem>>, vector<256x128xf32>
    %mul3A = arith.mulf %add3A_12, %get3A_15 : vector<256x128xf32>
    %get3A_16 = arith.constant 0 : index
    %get3A_17 = arith.constant 0 : index
    %get3A_18 = vector.load %arg4[%get3A_16, %get3A_17] : memref<1x128xf32, #tpu.memory_space<vmem>>, vector<1x128xf32>
    %add3A_19 = vector.broadcast %get3A_18 : vector<1x128xf32> to vector<256x128xf32>
    %add3A_20 = arith.addf %mul3A, %add3A_19 : vector<256x128xf32>
    %max3A = arith.constant 0.000000e+00 : f32
    %max3A_21 = vector.broadcast %max3A : f32 to vector<256x128xf32>
    %max3A_22 = arith.maximumf %add3A_20, %max3A_21 : vector<256x128xf32>
    %get3A_23 = arith.constant 0 : index
    %get3A_24 = arith.constant 0 : index
    %get3A_25 = arith.constant 0 : index
    %get3A_26 = vector.load %arg5[%get3A_23, %get3A_24, %get3A_25] : memref<3x128x512xf32, #tpu.memory_space<vmem>>, vector<1x128x512xf32>
    %get3A_27 = vector.shape_cast %get3A_26 : vector<1x128x512xf32> to vector<128x512xf32>
    %dot_general3A = arith.constant dense<0.000000e+00> : vector<256x512xf32>
    %dot_general3A_28 = tpu.matmul %max3A_22, %get3A_27, %dot_general3A {dimension_numbers = #tpu.dot_dimension_numbers<[1], [0], [0], [1], [0, 0, 1, 1], [], []>, transpose_lhs_hint = false} : vector<256x128xf32>, vector<128x512xf32>, vector<256x512xf32> -> vector<256x512xf32>
    %get3A_29 = arith.constant 0 : index
    %get3A_30 = arith.constant 0 : index
    %get3A_31 = vector.load %arg6[%get3A_29, %get3A_30] : memref<3x512xf32, #tpu.memory_space<vmem>>, vector<1x512xf32>
    %get3A_32 = vector.shape_cast %get3A_31 : vector<1x512xf32> to vector<512xf32>
    %broadcast_in_dim3A = vector.shape_cast %get3A_32 : vector<512xf32> to vector<1x512xf32>
    %add3A_33 = vector.broadcast %broadcast_in_dim3A : vector<1x512xf32> to vector<256x512xf32>
    %add3A_34 = arith.addf %dot_general3A_28, %add3A_33 : vector<256x512xf32>
    %get3A_35 = arith.constant 0 : index
    %get3A_36 = arith.constant 0 : index
    %get3A_37 = vector.load %arg7[%get3A_35, %get3A_36] : memref<3x512xf32, #tpu.memory_space<vmem>>, vector<1x512xf32>
    %get3A_38 = vector.shape_cast %get3A_37 : vector<1x512xf32> to vector<512xf32>
    %broadcast_in_dim3A_39 = vector.shape_cast %get3A_38 : vector<512xf32> to vector<1x512xf32>
    %add3A_40 = vector.broadcast %broadcast_in_dim3A_39 : vector<1x512xf32> to vector<256x512xf32>
    %add3A_41 = arith.addf %add3A_34, %add3A_40 : vector<256x512xf32>
    %slice3A = vector.extract_strided_slice %add3A_41 {offsets = [0, 0], sizes = [256, 128], strides = [1, 1]} : vector<256x512xf32> to vector<256x128xf32>
    %slice3A_42 = vector.extract_strided_slice %add3A_41 {offsets = [0, 256], sizes = [256, 128], strides = [1, 1]} : vector<256x512xf32> to vector<256x128xf32>
    %slice3A_43 = vector.extract_strided_slice %add3A_41 {offsets = [0, 384], sizes = [256, 128], strides = [1, 1]} : vector<256x512xf32> to vector<256x128xf32>
    %logistic3A = arith.negf %slice3A : vector<256x128xf32>
    %logistic3A_44 = math.exp %logistic3A : vector<256x128xf32>
    %logistic3A_45 = arith.constant 1.000000e+00 : f32
    %logistic3A_46 = vector.broadcast %logistic3A_45 : f32 to vector<256x128xf32>
    %logistic3A_47 = arith.addf %logistic3A_46, %logistic3A_44 : vector<256x128xf32>
    %logistic3A_48 = arith.divf %logistic3A_46, %logistic3A_47 : vector<256x128xf32>
    %tanh3A = math.tanh %slice3A_42 : vector<256x128xf32>
    %mul3A_49 = arith.mulf %logistic3A_48, %tanh3A : vector<256x128xf32>
    %logistic3A_50 = arith.negf %slice3A_43 : vector<256x128xf32>
    %logistic3A_51 = math.exp %logistic3A_50 : vector<256x128xf32>
    %logistic3A_52 = arith.constant 1.000000e+00 : f32
    %logistic3A_53 = vector.broadcast %logistic3A_52 : f32 to vector<256x128xf32>
    %logistic3A_54 = arith.addf %logistic3A_53, %logistic3A_51 : vector<256x128xf32>
    %logistic3A_55 = arith.divf %logistic3A_53, %logistic3A_54 : vector<256x128xf32>
    %tanh3A_56 = math.tanh %mul3A_49 : vector<256x128xf32>
    %mul3A_57 = arith.mulf %logistic3A_55, %tanh3A_56 : vector<256x128xf32>
    %get3A_58 = arith.constant 1 : index
    %get3A_59 = arith.constant 0 : index
    %get3A_60 = arith.constant 0 : index
    %get3A_61 = vector.load %arg5[%get3A_58, %get3A_59, %get3A_60] : memref<3x128x512xf32, #tpu.memory_space<vmem>>, vector<1x128x512xf32>
    %get3A_62 = vector.shape_cast %get3A_61 : vector<1x128x512xf32> to vector<128x512xf32>
    %dot_general3A_63 = arith.constant dense<0.000000e+00> : vector<256x512xf32>
    %dot_general3A_64 = tpu.matmul %mul3A_57, %get3A_62, %dot_general3A_63 {dimension_numbers = #tpu.dot_dimension_numbers<[1], [0], [0], [1], [0, 0, 1, 1], [], []>, transpose_lhs_hint = false} : vector<256x128xf32>, vector<128x512xf32>, vector<256x512xf32> -> vector<256x512xf32>
    %get3A_65 = arith.constant 1 : index
    %get3A_66 = arith.constant 0 : index
    %get3A_67 = vector.load %arg6[%get3A_65, %get3A_66] : memref<3x512xf32, #tpu.memory_space<vmem>>, vector<1x512xf32>
    %get3A_68 = vector.shape_cast %get3A_67 : vector<1x512xf32> to vector<512xf32>
    %broadcast_in_dim3A_69 = vector.shape_cast %get3A_68 : vector<512xf32> to vector<1x512xf32>
    %add3A_70 = vector.broadcast %broadcast_in_dim3A_69 : vector<1x512xf32> to vector<256x512xf32>
    %add3A_71 = arith.addf %dot_general3A_64, %add3A_70 : vector<256x512xf32>
    %get3A_72 = arith.constant 1 : index
    %get3A_73 = arith.constant 0 : index
    %get3A_74 = vector.load %arg7[%get3A_72, %get3A_73] : memref<3x512xf32, #tpu.memory_space<vmem>>, vector<1x512xf32>
    %get3A_75 = vector.shape_cast %get3A_74 : vector<1x512xf32> to vector<512xf32>
    %broadcast_in_dim3A_76 = vector.shape_cast %get3A_75 : vector<512xf32> to vector<1x512xf32>
    %add3A_77 = vector.broadcast %broadcast_in_dim3A_76 : vector<1x512xf32> to vector<256x512xf32>
    %add3A_78 = arith.addf %add3A_71, %add3A_77 : vector<256x512xf32>
    %slice3A_79 = vector.extract_strided_slice %add3A_78 {offsets = [0, 0], sizes = [256, 128], strides = [1, 1]} : vector<256x512xf32> to vector<256x128xf32>
    %slice3A_80 = vector.extract_strided_slice %add3A_78 {offsets = [0, 256], sizes = [256, 128], strides = [1, 1]} : vector<256x512xf32> to vector<256x128xf32>
    %slice3A_81 = vector.extract_strided_slice %add3A_78 {offsets = [0, 384], sizes = [256, 128], strides = [1, 1]} : vector<256x512xf32> to vector<256x128xf32>
    %logistic3A_82 = arith.negf %slice3A_79 : vector<256x128xf32>
    %logistic3A_83 = math.exp %logistic3A_82 : vector<256x128xf32>
    %logistic3A_84 = arith.constant 1.000000e+00 : f32
    %logistic3A_85 = vector.broadcast %logistic3A_84 : f32 to vector<256x128xf32>
    %logistic3A_86 = arith.addf %logistic3A_85, %logistic3A_83 : vector<256x128xf32>
    %logistic3A_87 = arith.divf %logistic3A_85, %logistic3A_86 : vector<256x128xf32>
    %tanh3A_88 = math.tanh %slice3A_80 : vector<256x128xf32>
    %mul3A_89 = arith.mulf %logistic3A_87, %tanh3A_88 : vector<256x128xf32>
    %logistic3A_90 = arith.negf %slice3A_81 : vector<256x128xf32>
    %logistic3A_91 = math.exp %logistic3A_90 : vector<256x128xf32>
    %logistic3A_92 = arith.constant 1.000000e+00 : f32
    %logistic3A_93 = vector.broadcast %logistic3A_92 : f32 to vector<256x128xf32>
    %logistic3A_94 = arith.addf %logistic3A_93, %logistic3A_91 : vector<256x128xf32>
    %logistic3A_95 = arith.divf %logistic3A_93, %logistic3A_94 : vector<256x128xf32>
    %tanh3A_96 = math.tanh %mul3A_89 : vector<256x128xf32>
    %mul3A_97 = arith.mulf %logistic3A_95, %tanh3A_96 : vector<256x128xf32>
    %get3A_98 = arith.constant 2 : index
    %get3A_99 = arith.constant 0 : index
    %get3A_100 = arith.constant 0 : index
    %get3A_101 = vector.load %arg5[%get3A_98, %get3A_99, %get3A_100] : memref<3x128x512xf32, #tpu.memory_space<vmem>>, vector<1x128x512xf32>
    %get3A_102 = vector.shape_cast %get3A_101 : vector<1x128x512xf32> to vector<128x512xf32>
    %dot_general3A_103 = arith.constant dense<0.000000e+00> : vector<256x512xf32>
    %dot_general3A_104 = tpu.matmul %mul3A_97, %get3A_102, %dot_general3A_103 {dimension_numbers = #tpu.dot_dimension_numbers<[1], [0], [0], [1], [0, 0, 1, 1], [], []>, transpose_lhs_hint = false} : vector<256x128xf32>, vector<128x512xf32>, vector<256x512xf32> -> vector<256x512xf32>
    %get3A_105 = arith.constant 2 : index
    %get3A_106 = arith.constant 0 : index
    %get3A_107 = vector.load %arg6[%get3A_105, %get3A_106] : memref<3x512xf32, #tpu.memory_space<vmem>>, vector<1x512xf32>
    %get3A_108 = vector.shape_cast %get3A_107 : vector<1x512xf32> to vector<512xf32>
    %broadcast_in_dim3A_109 = vector.shape_cast %get3A_108 : vector<512xf32> to vector<1x512xf32>
    %add3A_110 = vector.broadcast %broadcast_in_dim3A_109 : vector<1x512xf32> to vector<256x512xf32>
    %add3A_111 = arith.addf %dot_general3A_104, %add3A_110 : vector<256x512xf32>
    %get3A_112 = arith.constant 2 : index
    %get3A_113 = arith.constant 0 : index
    %get3A_114 = vector.load %arg7[%get3A_112, %get3A_113] : memref<3x512xf32, #tpu.memory_space<vmem>>, vector<1x512xf32>
    %get3A_115 = vector.shape_cast %get3A_114 : vector<1x512xf32> to vector<512xf32>
    %broadcast_in_dim3A_116 = vector.shape_cast %get3A_115 : vector<512xf32> to vector<1x512xf32>
    %add3A_117 = vector.broadcast %broadcast_in_dim3A_116 : vector<1x512xf32> to vector<256x512xf32>
    %add3A_118 = arith.addf %add3A_111, %add3A_117 : vector<256x512xf32>
    %slice3A_119 = vector.extract_strided_slice %add3A_118 {offsets = [0, 0], sizes = [256, 128], strides = [1, 1]} : vector<256x512xf32> to vector<256x128xf32>
    %slice3A_120 = vector.extract_strided_slice %add3A_118 {offsets = [0, 256], sizes = [256, 128], strides = [1, 1]} : vector<256x512xf32> to vector<256x128xf32>
    %slice3A_121 = vector.extract_strided_slice %add3A_118 {offsets = [0, 384], sizes = [256, 128], strides = [1, 1]} : vector<256x512xf32> to vector<256x128xf32>
    %logistic3A_122 = arith.negf %slice3A_119 : vector<256x128xf32>
    %logistic3A_123 = math.exp %logistic3A_122 : vector<256x128xf32>
    %logistic3A_124 = arith.constant 1.000000e+00 : f32
    %logistic3A_125 = vector.broadcast %logistic3A_124 : f32 to vector<256x128xf32>
    %logistic3A_126 = arith.addf %logistic3A_125, %logistic3A_123 : vector<256x128xf32>
    %logistic3A_127 = arith.divf %logistic3A_125, %logistic3A_126 : vector<256x128xf32>
    %tanh3A_128 = math.tanh %slice3A_120 : vector<256x128xf32>
    %mul3A_129 = arith.mulf %logistic3A_127, %tanh3A_128 : vector<256x128xf32>
    %logistic3A_130 = arith.negf %slice3A_121 : vector<256x128xf32>
    %logistic3A_131 = math.exp %logistic3A_130 : vector<256x128xf32>
    %logistic3A_132 = arith.constant 1.000000e+00 : f32
    %logistic3A_133 = vector.broadcast %logistic3A_132 : f32 to vector<256x128xf32>
    %logistic3A_134 = arith.addf %logistic3A_133, %logistic3A_131 : vector<256x128xf32>
    %logistic3A_135 = arith.divf %logistic3A_133, %logistic3A_134 : vector<256x128xf32>
    %tanh3A_136 = math.tanh %mul3A_129 : vector<256x128xf32>
    %mul3A_137 = arith.mulf %logistic3A_135, %tanh3A_136 : vector<256x128xf32>
    %get3A_138 = arith.constant 0 : index
    %get3A_139 = arith.constant 0 : index
    %get3A_140 = vector.load %arg8[%get3A_138, %get3A_139] : memref<128x128xf32, #tpu.memory_space<vmem>>, vector<128x128xf32>
    %dot_general3A_141 = arith.constant dense<0.000000e+00> : vector<256x128xf32>
    %dot_general3A_142 = tpu.matmul %mul3A_137, %get3A_140, %dot_general3A_141 {dimension_numbers = #tpu.dot_dimension_numbers<[1], [0], [0], [1], [0, 0, 1, 1], [], []>, transpose_lhs_hint = false} : vector<256x128xf32>, vector<128x128xf32>, vector<256x128xf32> -> vector<256x128xf32>
    %get3A_143 = arith.constant 0 : index
    %get3A_144 = arith.constant 0 : index
    %get3A_145 = vector.load %arg9[%get3A_143, %get3A_144] : memref<1x128xf32, #tpu.memory_space<vmem>>, vector<1x128xf32>
    %add3A_146 = vector.broadcast %get3A_145 : vector<1x128xf32> to vector<256x128xf32>
    %add3A_147 = arith.addf %dot_general3A_142, %add3A_146 : vector<256x128xf32>
    %swap3A = arith.constant 0 : index
    %swap3A_148 = arith.constant 0 : index
    %swap3A_149 = vector.load %arg10[%swap3A, %swap3A_148] : memref<256x128xf32, #tpu.memory_space<vmem>>, vector<256x128xf32>
    tpu.vector_store %arg10[%swap3A, %swap3A_148], %add3A_147 {strides = array<i32>} : memref<256x128xf32, #tpu.memory_space<vmem>>, vector<256x128xf32>,
    return
  }
  func.func @transform_0(%arg0: i32) -> (i32, i32, i32) {
    %c0_i32 = arith.constant 0 : i32
    %c0_i32_0 = arith.constant 0 : i32
    %c0_i32_1 = arith.constant 0 : i32
    return %c0_i32, %arg0, %c0_i32_0 : i32, i32, i32
  }
  func.func @transform_1(%arg0: i32) -> (i32, i32) {
    %c0_i32 = arith.constant 0 : i32
    %c0_i32_0 = arith.constant 0 : i32
    return %arg0, %c0_i32 : i32, i32
  }
  func.func @transform_2(%arg0: i32) -> (i32, i32) {
    %c0_i32 = arith.constant 0 : i32
    %c0_i32_0 = arith.constant 0 : i32
    return %arg0, %c0_i32 : i32, i32
  }
  func.func @transform_3(%arg0: i32) -> (i32, i32) {
    %c0_i32 = arith.constant 0 : i32
    %c0_i32_0 = arith.constant 0 : i32
    %c0_i32_1 = arith.constant 0 : i32
    return %c0_i32, %c0_i32_0 : i32, i32
  }
  func.func @transform_4(%arg0: i32) -> (i32, i32, i32) {
    %c0_i32 = arith.constant 0 : i32
    %c0_i32_0 = arith.constant 0 : i32
    %c0_i32_1 = arith.constant 0 : i32
    %c0_i32_2 = arith.constant 0 : i32
    return %c0_i32, %c0_i32_0, %c0_i32_1 : i32, i32, i32
  }
  func.func @transform_5(%arg0: i32) -> (i32, i32) {
    %c0_i32 = arith.constant 0 : i32
    %c0_i32_0 = arith.constant 0 : i32
    %c0_i32_1 = arith.constant 0 : i32
    return %c0_i32, %c0_i32_0 : i32, i32
  }
  func.func @transform_6(%arg0: i32) -> (i32, i32) {
    %c0_i32 = arith.constant 0 : i32
    %c0_i32_0 = arith.constant 0 : i32
    %c0_i32_1 = arith.constant 0 : i32
    return %c0_i32, %c0_i32_0 : i32, i32
  }
  func.func @transform_7(%arg0: i32) -> (i32, i32) {
    %c0_i32 = arith.constant 0 : i32
    %c0_i32_0 = arith.constant 0 : i32
    %c0_i32_1 = arith.constant 0 : i32
    return %c0_i32, %c0_i32_0 : i32, i32
  }
  func.func @transform_8(%arg0: i32) -> (i32, i32) {
    %c0_i32 = arith.constant 0 : i32
    %c0_i32_0 = arith.constant 0 : i32
    %c0_i32_1 = arith.constant 0 : i32
    return %c0_i32, %c0_i32_0 : i32, i32
  }
  func.func @transform_9(%arg0: i32) -> (i32, i32) {
    %c0_i32 = arith.constant 0 : i32
    %c0_i32_0 = arith.constant 0 : i32
    return %arg0, %c0_i32 : i32, i32
  }
}

</mosaic_0001>

<sc_bundles>
// kernel: kernel.6.cloned.1.call-start
scs
__scs_entry_jumppad:
0x0: {  	(pc) =	sbr.rel $0x88, $3  }
0x1: {  	(tag) =	ssettag $0x0;
	lr =	simm.s32 $0x1  }
0x2: {  	[smem:$0x3F98] =	sst lr;
	_ =	strace $0xD0000000  }
0x3: {  	_ = 	snop  }
0x4: {  	_ = 	snop  }
0x5: {  	_ = 	snop  }
0x6: {  	_ = 	snop  }
0x7: {  	_ = 	snop  }
__scs_overlays_trampoline_lowered:
0x8: {  	[smem:$0x3FA7] =	sst s0  }
0x9: {  	[smem:$0x3FA8] =	sst s1  }
0xa: {  	[smem:$0x3FA9] =	sst s2  }
0xb: {  	[smem:$0x3FAA] =	sst s3  }
0xc: {  	[smem:$0x3FAB] =	sst s4  }
0xd: {  	[smem:$0x3FAC] =	sst s5  }
0xe: {  	[smem:$0x3FAD] =	sst s6  }
0xf: {  	[smem:$0x3FAE] =	sst s7  }
0x10: {  	[smem:$0x3FAF] =	sst s8  }
0x11: {  	[smem:$0x3FB0] =	sst s9;
	s0 =	simm.s32 @!p0 $0x0  }
0x12: {  	s1 =	sld [smem:$0x3F96];
	s0 =	simm.s32 @p0 $0x1  }
0x13: {  	[smem:$0x3FB1] =	sst s0;
	s0 =	simm.s32 @!p1 $0x0  }
0x14: {  	s2 =	sld [smem:$0x3F95];
	s0 =	simm.s32 @p1 $0x1  }
0x15: {  	[smem:$0x3FB2] =	sst s0;
	s0 =	simm.s32 @!p2 $0x0  }
0x16: {  	s3 =	sld [smem:$0x3FDB];
	s0 =	simm.s32 @p2 $0x1  }
0x17: {  	s4 =	simm.s32 $0x1BF5;
	[smem:$0x3FB4] =	sst s0  }
0x18: {  	s0 =	sld [smem:$0x3F97];
	_ =	swait.ge [sflag:s4], $0x0  }
0x19: {  	s7 =	sld [smem:$0x3F98]  }
0x1a: {  	s8 =	sadd.s32 $0xFFFFE003, lr  }
0x1b: {  	s9 =	sadd.s32 $0xFFFFFEF7, lr;
	s5 =	simm.s32 $0xFFFFFFFF;
	p2 =	slt.u32 s8, $0xFFFFF086  }
0x1c: {  	p1 =	slt.u32 s9, $0xF7A;
	s5 =	simm.s32 @!p2 $0x0  }
0x1d: {  	s5 =	simm.s32 @p1 $0x1;
	p0 =	seq.s32 s7, s2  }
0x1e: {  	s7 =	smul.u32 @!p0 $0xF7A, s2;
	p2 =	seq.s32 @!p0 s5, $0x0  }
0x1f: {  	s9 =	smul.u32 $0xF7A, s1;
	s8 =	simm.s32 @!p0 $0x1BF5;
	p2 =	por !p2, p0  }
0x20: {  	[sflag:s8] =	ssyncset.s32 @!p0 $0xFFFFF086;
	s6 =	sadd.s32 @!p0 s3, s7;
	s7 =	simm.s32 @!p0 $0x108  }
0x21: {  	s3 =	sadd.s32 s3, s9;
	s6 =	sadd.s32 @!p0 $0x88, s6;
	s7 =	simm.s32 @p2 $0x1082  }
0x22: {  	[simem:s7], [sflag:s8] =	dma.local @!p0 [hbm:s6], $0xF7A  }
0x23: {  	s9 =	sor.u32 $0xD0000000, s2;
	s6 =	simm.s32 $0x108;
	_ =	swait.ge @!p0 [sflag:s8], $0x0  }
0x24: {  	s3 =	sadd.s32 $0x88, s3;
	s6 =	simm.s32 @!p1 $0x1082;
	[sflag:s4] =	ssyncset.s32 $0xFFFFF086  }
0x25: {  	[simem:s6], [sflag:s4] =	dma.local [hbm:s3], $0xF7A  }
0x26: {  	[smem:$0x3F98] =	sst s1;
	(tag) =	ssettag s2;
	_ =	strace s9  }
0x27: {  	s1 =	sld [smem:$0x3FA8]  }
0x28: {  	s2 =	sld [smem:$0x3FA9]  }
0x29: {  	s4 =	sld [smem:$0x3FAB]  }
0x2a: {  	p0 =	seq.s32 s5, $0x0;
	s5 =	sld [smem:$0x3FAC]  }
0x2b: {  	s6 =	sld [smem:$0x3FAD]  }
0x2c: {  	s7 =	sld [smem:$0x3FAE]  }
0x2d: {  	s3 =	simm.s32 $0x108;
	s8 =	sld [smem:$0x3FAF]  }
0x2e: {  	s3 =	simm.s32 @!p0 $0x1082;
	s9 =	sld [smem:$0x3FB0]  }
0x2f: {  	lr =	sadd.s32 s0, s3;
	s0 =	sld [smem:$0x3FA7]  }
0x30: {  	s3 =	sld [smem:$0x3FAA]  }
0x31: {  	[smem:$0x3FB3] =	sst s10  }
0x32: {  	s10 =	sld [smem:$0x3FB1];
	_ =	sdelay $0x3  }
0x33: {  	p0 =	seq.s32 s10, $0x1;
	s10 =	sld [smem:$0x3FB3];
	_ =	sdelay $0x3  }
0x34: {  	[smem:$0x3FB3] =	sst s10  }
0x35: {  	s10 =	sld [smem:$0x3FB2];
	_ =	sdelay $0x3  }
0x36: {  	p1 =	seq.s32 s10, $0x1;
	s10 =	sld [smem:$0x3FB3];
	_ =	sdelay $0x3  }
0x37: {  	[smem:$0x3FB3] =	sst s10  }
0x38: {  	s10 =	sld [smem:$0x3FB4]  }
0x39: {  	_ = 	snop;
	(pc) =	sbr.ind lr, $3  }
0x3a: {  	_ = 	snop  }
0x3b: {  	_ = 	snop  }
0x3c: {  	p2 =	seq.s32 s10, $0x1;
	s10 =	sld [smem:$0x3FB3]  }
0x3d: {  	_ =	shalt  }
0x3e: {  	_ =	shalt  }
0x3f: {  	_ =	shalt  }
0x40: {  	_ =	shalt  }
0x41: {  	_ =	shalt  }
0x42: {  	_ =	shalt  }
0x43: {  	_ =	shalt  }
0x44: {  	_ =	shalt  }
0x45: {  	_ =	shalt  }
0x46: {  	_ =	shalt  }
0x47: {  	_ =	shalt  }
0x48: {  	_ =	shalt  }
0x49: {  	_ =	shalt  }
0x4a: {  	_ =	shalt  }
0x4b: {  	_ =	shalt  }
0x4c: {  	_ =	shalt  }
0x4d: {  	_ =	shalt  }
0x4e: {  	_ =	shalt  }
0x4f: {  	_ =	shalt  }
0x50: {  	_ =	shalt  }
0x51: {  	_ =	shalt  }
0x52: {  	_ =	shalt  }
0x53: {  	_ =	shalt  }
0x54: {  	_ =	shalt  }
0x55: {  	_ =	shalt  }
0x56: {  	_ =	shalt  }
0x57: {  	_ =	shalt  }
0x58: {  	_ =	shalt  }
0x59: {  	_ =	shalt  }
0x5a: {  	_ =	shalt  }
0x5b: {  	_ =	shalt  }
0x5c: {  	_ =	shalt  }
0x5d: {  	_ =	shalt  }
0x5e: {  	_ =	shalt  }
0x5f: {  	_ =	shalt  }
0x60: {  	_ =	shalt  }
0x61: {  	_ =	shalt  }
0x62: {  	_ =	shalt  }
0x63: {  	_ =	shalt  }
0x64: {  	_ =	shalt  }
0x65: {  	_ =	shalt  }
0x66: {  	_ =	shalt  }
0x67: {  	_ =	shalt  }
0x68: {  	_ =	shalt  }
0x69: {  	_ =	shalt  }
0x6a: {  	_ =	shalt  }
0x6b: {  	_ =	shalt  }
0x6c: {  	_ =	shalt  }
0x6d: {  	_ =	shalt  }
0x6e: {  	_ =	shalt  }
0x6f: {  	_ =	shalt  }
0x70: {  	_ =	shalt  }
0x71: {  	_ =	shalt  }
0x72: {  	_ =	shalt  }
0x73: {  	_ =	shalt  }
0x74: {  	_ =	shalt  }
0x75: {  	_ =	shalt  }
0x76: {  	_ =	shalt  }
0x77: {  	_ =	shalt  }
0x78: {  	_ =	shalt  }
0x79: {  	_ =	shalt  }
0x7a: {  	_ =	shalt  }
0x7b: {  	_ =	shalt  }
0x7c: {  	_ =	shalt  }
0x7d: {  	_ =	shalt  }
0x7e: {  	_ =	shalt  }
0x7f: {  	_ =	shalt  }
0x80: {  	_ =	shalt  }
0x81: {  	_ =	shalt  }
0x82: {  	_ =	shalt  }
0x83: {  	_ =	shalt  }
0x84: {  	_ =	shalt  }
0x85: {  	_ =	shalt  }
0x86: {  	_ =	shalt  }
0x87: {  	_ =	shalt  }
.Lfunc_end0:
.L_simem_size_0:
called_computation_lowered:
.L_overlay_start_0:
0x88: {  	s2 =	sld [smem:$0x3FD9]  }
0x89: {  	s3 =	sld [smem:$0x3FFE];
	_ =	sdelay $0x1  }
0x8a: {  	s1 =	srdreg.scid  }
0x8b: {  	s0 =	sand.u32 $0x1, s1  }
0x8c: {  	s17 =	sshll.u32 s0, $0xA;
	s2 =	sadd.s32 s3, s2  }
0x8d: {  	s2 =	sadd.s32 s2, s17  }
0x8e: {  	[smem:$0x3FBF] =	sst s2  }
0x8f: {  	_ = 	snop  }
0x90: {  	s2 =	sld [smem:$0x3FD0];
	(tm) =	ssettm $0x1  }
0x91: {  	s18 =	sld [smem:$0x3FFB];
	_ =	sdelay $0x3  }
0x92: {  	_ =	strace s18  }
0x93: {  	s3 =	sld [smem:$0x3FFC];
	_ =	sdelay $0x3  }
0x94: {  	_ =	strace s3  }
0x95: {  	s3 =	sld [smem:$0x3FFD];
	_ =	sdelay $0x3  }
0x96: {  	_ =	strace s3  }
0x97: {  	_ =	strace $0x8FFFFFFF  }
0x98: {  	s19 =	sld [smem:$0x3FDB];
	_ =	sdelay $0x1  }
0x99: {  	s4 =	simm.s32 $_scs_section_size  }
0x9a: {  	s5 =	simm.s32 $_size__tile_overlayer_lowered;
	s6 =	simm.s32 $_tile_overlayer_lowered  }
0x9b: {  	s22 =	simm.s32 $0x1BFF;
	s21 =	sshll.u32 s6, $0x1;
	s3 =	sadd.s32 s4, s19  }
0x9c: {  	s7 =	simm.s32 $0x0;
	s20 =	sshll.u32 s5, $0x1;
	s5 =	sadd.s32 s21, s3  }
0x9d: {  	[timem:s7], [sflag:s22] =	dma.local [hbm:s5], s20  }
0x9e: {  	_ =	swait.ge [sflag:s22], s20  }
0x9f: {  	s4 =	ssub.s32 $0x0, s20;
	[sflag:s22] =	ssyncset.done $0x0  }
0xa0: {  	[sflag:s22] =	ssyncadd.s32 s4;
	_ =	sdelay $0x1  }
0xa1: {  	s23 =	simm.s32 $0x1B8B  }
0xa2: {  	_ =	swait.ge [sflag:s23], $0x1  }
0xa3: {  	[sflag:s23] =	ssyncset.done $0x0  }
0xa4: {  	s25 =	simm.s32 $0x1B8E;
	s24 =	sld [smem:$0x3FFE];
	[sflag:s23] =	ssyncadd.s32 $0xFFFFFFFF  }
0xa5: {  	s26 =	simm.s32 $execute0_lowered;
	[smem:$0x3FD2] =	sst s25  }
0xa6: {  	s5 =	sshll.u32 s26, $0x1;
	_ =	strace $0x80000046;
	[dreg:$0x1] =	wrdreg $0xFFFFFFFF  }
0xa7: {  	s28 =	simm.s32 $_size_execute0_lowered;
	s3 =	sadd.s32 s3, s5;
	[dreg:$0x0] =	wrdreg $0x0  }
0xa8: {  	s5 =	sshll.u32 s28, $0x1;
	[dreg:$0x2] =	wrdreg s3  }
0xa9: {  	[dreg:$0x3] =	wrdreg s5  }
0xaa: {  	[dreg:$0x4] =	wrdreg $0xC0  }
0xab: {  	_ =	task [dreg:s7], $0x5FFFF  }
0xac: {  	[dreg:$0x1] =	wrdreg $0xFFFFFFFF  }
0xad: {  	[dreg:$0x0] =	wrdreg $0x60  }
0xae: {  	[dreg:$0x2] =	wrdreg s2  }
0xaf: {  	[dreg:$0x3] =	wrdreg s24  }
0xb0: {  	[dreg:$0x4] =	wrdreg $0x68000  }
0xb1: {  	[dreg:$0x5] =	wrdreg $0x9  }
0xb2: {  	_ =	task.clear_ibuf [dreg:s7], $0x6FFFF;
	_ =	strace $0x90000046  }
0xb3: {  	s29 =	simm.s32 $0x9;
	_ =	strace $0x80000048  }
0xb4: {  	_ =	swait.ge [sflag:s29], $0x1  }
0xb5: {  	[sflag:s29] =	ssyncadd.s32 $0xFFFFFFFF  }
0xb6: {  	_ =	strace $0x90000048  }
0xb7: {  	_ =	sfence  }
0xb8: {  	s30 =	sld [smem:$0x0];
	_ =	sdelay $0x2  }
0xb9: {  	s31 =	sshll.u32 s1, $0xD;
	s1 =	sshrl.u32 s1, $0x2  }
0xba: {  	s3 =	sand.u32 $0x4000, s31;
	s1 =	sadd.s32 s1, s30  }
0xbb: {  	s0 =	sor.u32 s3, s0;
	s1 =	sshll.u32 s1, $0x11  }
0xbc: {  	s0 =	sor.u32 s1, s0  }
0xbd: {  	s0 =	sadd.s32 $0x8F2B, s0  }
0xbe: {  	[sflag:s0] =	ssyncadd.remote.s32 $0x1  }
0xbf: {  	_ =	sfence.sel $0xFFFF  }
0xc0: {  	[dreg:$0x0] =	wrdreg $0xFFFFFFFF;
	(pc) =	sbr.abs _section_cstart, $3  }
0xc1: {  	[dreg:$0x1] =	wrdreg $0xFFFFFFFF  }
0xc2: {  	_ =	task.clear_ibuf [dreg:s7], $0x2FFFF;
	_ =	strace $0x9FFFFFFF  }
0xc3: {  	(tm) =	ssettm $0x7FFFFFFF  }
tec
execute0_lowered:
.L_overlay_start_1:
0x0: {  	(tag) =	ssettag $0x1  }
0x1: {  	s9 =	rddreg [dreg:$0x0]  }
0x2: {  	s6 =	rddreg [dreg:$0x1]  }
0x3: {  	s0 =	srdreg.scid;
	s2 =	rddreg [dreg:$0x2]  }
0x4: {  	s1 =	rddreg [dreg:$0x3];
	s3 =	simm.s32 $0x0;
	s4 =	sand.u32 $0x1, s0  }
0x5: {  	s13 =	simm.s32 $0x1;
	s0 =	stileid.u32;
	s5 =	smul.u32 $0x140000, s4  }
0x6: {  	s14 =	simm.s32 $0x80;
	[smem:$0x7FF] =	sst s3;
	s7 =	smul.u32 $0x14000, s0  }
0x7: {  	s29 =	smul.u32 $0x50000, s0;
	_ =	strace $0x80000047;
	s30 =	ssub.s32 $0x2, s4  }
0x8: {  	s31 =	sshll.u32 s0, $0x1;
	s15 =	sshll.u32 s0, $0x6;
	s8 =	sshrl.u32 s30, $0x1  }
0x9: {  	s15 =	sor.u32 $0x1C01, s15;
	s5 =	sadd.s32 s7, s5;
	s11 =	ssub.s32 s30, s8  }
0xa: {  	s7 =	sshrl.u32 s29, $0x2;
	s5 =	sshrl.u32 s5, $0x3;
	s11 =	smax.u32 s11, $0x1  }
0xb: {  	s10 =	sadd.s32 s5, s6;
	s6 =	sor.u32 s4, s31;
	s4 =	sadd.s32 s7, s2  }
0xc: {  	s5 =	sadd.s32 $0x4000, s4;
	s12 =	smul.u32 $0x500, s6;
	s6 =	sadd.s32 $0x8000, s4  }
0xd: {  	s7 =	sadd.s32 $0xC000, s4;
	s8 =	sadd.s32 $0x10000, s4;
	s10 =	sadd.s32 $0x2200, s10  }
0xe: {  	v0 =	vimm.f32 $0.0e+00;
	v1 =	vimm.f32 $1.000000000e+00;
	s16 =	sshrl.u32 s4, $0x3;
	s9 =	sadd.s32 s9, s12;
	s12 =	simm.s32 $0x2800  }
.LBB2_1:
0xf: {  	s17 =	simm.s32 $0x200;
	s18 =	simm.s32 $0x0  }
.LBB2_2:
0x10: {  	p0 =	sne.s32 s17, $0xFE00;
	[tilespmem:s18+$0x2800] =	vst v0;
	s18 =	smov.u32 s17;
	s17 =	sadd.s32 $0x200, s17  }
.Ltmp0:
0x11: {  	(pc) =	sbr.rel @p0 .LBB2_2-.Ltmp0, $2  }
0x12: {  	_ =	sdelay $0x2  }
0x13: {  	s18 =	sshra.s32 s18, $0x2  }
0x14: {  	[tilespmem:s18+$0x2800] =	vst v0  }
0x15: {  	[spmem:s4] =	stream.linear.scatter [tilespmem:s12], [sflag:$0x1], $0x4000, $0x38;
	[tilespmem:$0x9000] =	vst v63  }
0x16: {  	_ =	swait.ge [sflag:s13], $0x4000  }
0x17: {  	[sflag:s13] =	ssyncset.done $0x0  }
0x18: {  	[sflag:s13] =	ssyncadd.s32 $0xFFFFC000  }
0x19: {  	[spmem:s5] =	stream.linear.scatter [tilespmem:s12], [sflag:$0x1], $0x4000, $0x38;
	[tilespmem:$0x9000] =	vst v63  }
0x1a: {  	_ =	swait.ge [sflag:s13], $0x4000  }
0x1b: {  	[sflag:s13] =	ssyncset.done $0x0  }
0x1c: {  	[sflag:s13] =	ssyncadd.s32 $0xFFFFC000  }
0x1d: {  	[spmem:s6] =	stream.linear.scatter [tilespmem:s12], [sflag:$0x1], $0x4000, $0x38;
	[tilespmem:$0x9000] =	vst v63  }
0x1e: {  	_ =	swait.ge [sflag:s13], $0x4000  }
0x1f: {  	[sflag:s13] =	ssyncset.done $0x0  }
0x20: {  	[sflag:s13] =	ssyncadd.s32 $0xFFFFC000  }
0x21: {  	[spmem:s7] =	stream.linear.scatter [tilespmem:s12], [sflag:$0x1], $0x4000, $0x38;
	[tilespmem:$0x9000] =	vst v63  }
0x22: {  	_ =	swait.ge [sflag:s13], $0x4000  }
0x23: {  	[sflag:s13] =	ssyncset.done $0x0  }
0x24: {  	[sflag:s13] =	ssyncadd.s32 $0xFFFFC000  }
0x25: {  	[spmem:s8] =	stream.linear.scatter [tilespmem:s12], [sflag:$0x1], $0x4000, $0x38;
	[tilespmem:$0x9000] =	vst v63  }
0x26: {  	_ =	swait.ge [sflag:s13], $0x4000  }
0x27: {  	[sflag:s13] =	ssyncset.done $0x0  }
0x28: {  	s17 =	simm.s32 $0x200;
	s18 =	simm.s32 $0x0;
	[sflag:s13] =	ssyncadd.s32 $0xFFFFC000  }
.LBB2_4:
0x29: {  	p0 =	sne.s32 s17, $0xFE00;
	[tilespmem:s18+$0x2800] =	vst v1;
	s18 =	smov.u32 s17;
	s17 =	sadd.s32 $0x200, s17  }
.Ltmp1:
0x2a: {  	(pc) =	sbr.rel @p0 .LBB2_4-.Ltmp1, $2  }
0x2b: {  	_ =	sdelay $0x2  }
0x2c: {  	s18 =	sshra.s32 s18, $0x2  }
0x2d: {  	[tilespmem:s18+$0x2800] =	vst v1  }
0x2e: {  	s17 =	simm.s32 $0x0;
	[bflag:$0x0] =	sbarrier.arrive $0xFFFF  }
0x2f: {  	[tilespmem:s17], [sflag:$0x1] =	stream.linear.gather [hbm4b:s9+s17], $0x2780, $0x38;
	[tilespmem:$0x9000] =	vst v63  }
0x30: {  	_ =	swait.ge [sflag:s13], $0x2780  }
0x31: {  	[sflag:s13] =	ssyncset.done $0x0  }
0x32: {  	s31 =	simm.s32 $0x0;
	[sflag:s13] =	ssyncadd.s32 $0xFFFFD880  }
0x33: {  	[spmem:s2] =	stream.indirect.scatter.add.f32 [tilespmem:s12], [sflag:$0x1], $0x10, s31, s14, $0xb8;
	[tilespmem:$0x9000] =	vst v63  }
0x34: {  	_ =	swait.ge [sflag:s13], $0x800  }
0x35: {  	s17 =	simm.s32 $0x200;
	[sflag:s13] =	ssyncset.done $0x0  }
.LBB2_6:
0x36: {  	s18 =	sshra.s32 s17, $0x2;
	[sflag:s13] =	ssyncadd.s32 $0xFFFFF800;
	p0 =	sne.s32 s17, $0x9C00  }
0x37: {  	[spmem:s2] =	stream.indirect.scatter.add.f32 [tilespmem:s12], [sflag:$0x1], $0x10, s18, s14, $0xb8;
	[tilespmem:$0x9000] =	vst v63  }
.Ltmp2:
0x38: {  	_ = 	snop;
	(pc) =	sbr.rel @p0 .LBB2_6-.Ltmp2, $4  }
0x39: {  	_ = 	snop  }
0x3a: {  	s17 =	sadd.s32 $0x200, s17  }
0x3b: {  	_ =	swait.ge [sflag:s13], $0x800  }
0x3c: {  	[sflag:s13] =	ssyncset.done $0x0  }
0x3d: {  	s3 =	sadd.s32 $0x1, s3  }
0x3e: {  	[sflag:s13] =	ssyncadd.s32 $0xFFFFF800;
	p0 =	sne.s32 s3, s11  }
.Ltmp3:
0x3f: {  	[bflag:$0x0] =	sbarrier.arrive $0xFFFF;
	(pc) =	sbr.rel @p0 .LBB2_1-.Ltmp3, $4  }
0x40: {  	[hbm:s10], [sflag:s15] =	dma.local [spmem:s16], $0x2800  }
0x41: {  	_ =	swait.ge [sflag:s13], $0x2800  }
0x42: {  	[sflag:s13] =	ssyncset.done $0x0  }
0x43: {  	[sflag:s13] =	ssyncadd.s32 $0xFFFFD800  }
0x44: {  	_ =	sfence.sel $0x180000  }
0x45: {  	[bflag:$0x0] =	sbarrier.arrive $0xFFFF  }
0x46: {  	p0 =	sne.s32 s0, $0x0;
	_ =	strace $0x90000047  }
0x47: {  	s0 =	sadd.s32 @!p0 $0x100000, s1;
	[bflag:$0x2] =	sbarrier.arrive $0xFFFF  }
0x48: {  	[sflag:s0] =	ssyncadd.tile.s32 @!p0 $0x1;
	_ =	shalt  }
.Lfunc_end2:
_tile_overlayer_lowered:
.L_overlay_start_2:
0x49: {  	(tag) =	ssettag $0x2  }
0x4a: {  	s0 =	rddreg [dreg:$0x0];
	s2 =	stileid.u32  }
0x4b: {  	s1 =	rddreg [dreg:$0x1];
	p0 =	sne.s32 s2, $0x0  }
0x4c: {  	s3 =	rddreg [dreg:$0x2];
	[bflag:$0x3] =	sbarrier.arrive $0xFFFF;
	s2 =	simm.s32 @!p0 $0x1C01  }
0x4d: {  	[timem:s3], [sflag:s2] =	dma.local @!p0 [hbm:s0], s1  }
0x4e: {  	s0 =	simm.s32 @!p0 $0x1  }
0x4f: {  	_ =	swait.ge @!p0 [sflag:s0], s1  }
0x50: {  	s1 =	ssub.s32 @!p0 $0x0, s1;
	[sflag:s0] =	ssyncset.done @!p0 $0x0  }
0x51: {  	[sflag:s0] =	ssyncadd.s32 @!p0 s1  }
0x52: {  	[bflag:$0x3] =	sbarrier.arrive $0xFFFF  }
0x53: {  	_ =	shalt  }

// kernel: kernel.9.cloned.1.call-start
scs
__scs_entry_jumppad:
0x0: {  	(pc) =	sbr.rel $0x88, $3  }
0x1: {  	(tag) =	ssettag $0x0;
	lr =	simm.s32 $0x1  }
0x2: {  	[smem:$0x3F98] =	sst lr;
	_ =	strace $0xD0000000  }
0x3: {  	_ = 	snop  }
0x4: {  	_ = 	snop  }
0x5: {  	_ = 	snop  }
0x6: {  	_ = 	snop  }
0x7: {  	_ = 	snop  }
__scs_overlays_trampoline_lowered:
0x8: {  	[smem:$0x3FA7] =	sst s0  }
0x9: {  	[smem:$0x3FA8] =	sst s1  }
0xa: {  	[smem:$0x3FA9] =	sst s2  }
0xb: {  	[smem:$0x3FAA] =	sst s3  }
0xc: {  	[smem:$0x3FAB] =	sst s4  }
0xd: {  	[smem:$0x3FAC] =	sst s5  }
0xe: {  	[smem:$0x3FAD] =	sst s6  }
0xf: {  	[smem:$0x3FAE] =	sst s7  }
0x10: {  	[smem:$0x3FAF] =	sst s8  }
0x11: {  	[smem:$0x3FB0] =	sst s9;
	s0 =	simm.s32 @!p0 $0x0  }
0x12: {  	s1 =	sld [smem:$0x3F96];
	s0 =	simm.s32 @p0 $0x1  }
0x13: {  	[smem:$0x3FB1] =	sst s0;
	s0 =	simm.s32 @!p1 $0x0  }
0x14: {  	s2 =	sld [smem:$0x3F95];
	s0 =	simm.s32 @p1 $0x1  }
0x15: {  	[smem:$0x3FB2] =	sst s0;
	s0 =	simm.s32 @!p2 $0x0  }
0x16: {  	s3 =	sld [smem:$0x3FDB];
	s0 =	simm.s32 @p2 $0x1  }
0x17: {  	s4 =	simm.s32 $0x1BF5;
	[smem:$0x3FB4] =	sst s0  }
0x18: {  	s0 =	sld [smem:$0x3F97];
	_ =	swait.ge [sflag:s4], $0x0  }
0x19: {  	s7 =	sld [smem:$0x3F98]  }
0x1a: {  	s8 =	sadd.s32 $0xFFFFE003, lr  }
0x1b: {  	s9 =	sadd.s32 $0xFFFFFEF7, lr;
	s5 =	simm.s32 $0xFFFFFFFF;
	p2 =	slt.u32 s8, $0xFFFFF086  }
0x1c: {  	p1 =	slt.u32 s9, $0xF7A;
	s5 =	simm.s32 @!p2 $0x0  }
0x1d: {  	s5 =	simm.s32 @p1 $0x1;
	p0 =	seq.s32 s7, s2  }
0x1e: {  	s7 =	smul.u32 @!p0 $0xF7A, s2;
	p2 =	seq.s32 @!p0 s5, $0x0  }
0x1f: {  	s9 =	smul.u32 $0xF7A, s1;
	s8 =	simm.s32 @!p0 $0x1BF5;
	p2 =	por !p2, p0  }
0x20: {  	[sflag:s8] =	ssyncset.s32 @!p0 $0xFFFFF086;
	s6 =	sadd.s32 @!p0 s3, s7;
	s7 =	simm.s32 @!p0 $0x108  }
0x21: {  	s3 =	sadd.s32 s3, s9;
	s6 =	sadd.s32 @!p0 $0x88, s6;
	s7 =	simm.s32 @p2 $0x1082  }
0x22: {  	[simem:s7], [sflag:s8] =	dma.local @!p0 [hbm:s6], $0xF7A  }
0x23: {  	s9 =	sor.u32 $0xD0000000, s2;
	s6 =	simm.s32 $0x108;
	_ =	swait.ge @!p0 [sflag:s8], $0x0  }
0x24: {  	s3 =	sadd.s32 $0x88, s3;
	s6 =	simm.s32 @!p1 $0x1082;
	[sflag:s4] =	ssyncset.s32 $0xFFFFF086  }
0x25: {  	[simem:s6], [sflag:s4] =	dma.local [hbm:s3], $0xF7A  }
0x26: {  	[smem:$0x3F98] =	sst s1;
	(tag) =	ssettag s2;
	_ =	strace s9  }
0x27: {  	s1 =	sld [smem:$0x3FA8]  }
0x28: {  	s2 =	sld [smem:$0x3FA9]  }
0x29: {  	s4 =	sld [smem:$0x3FAB]  }
0x2a: {  	p0 =	seq.s32 s5, $0x0;
	s5 =	sld [smem:$0x3FAC]  }
0x2b: {  	s6 =	sld [smem:$0x3FAD]  }
0x2c: {  	s7 =	sld [smem:$0x3FAE]  }
0x2d: {  	s3 =	simm.s32 $0x108;
	s8 =	sld [smem:$0x3FAF]  }
0x2e: {  	s3 =	simm.s32 @!p0 $0x1082;
	s9 =	sld [smem:$0x3FB0]  }
0x2f: {  	lr =	sadd.s32 s0, s3;
	s0 =	sld [smem:$0x3FA7]  }
0x30: {  	s3 =	sld [smem:$0x3FAA]  }
0x31: {  	[smem:$0x3FB3] =	sst s10  }
0x32: {  	s10 =	sld [smem:$0x3FB1];
	_ =	sdelay $0x3  }
0x33: {  	p0 =	seq.s32 s10, $0x1;
	s10 =	sld [smem:$0x3FB3];
	_ =	sdelay $0x3  }
0x34: {  	[smem:$0x3FB3] =	sst s10  }
0x35: {  	s10 =	sld [smem:$0x3FB2];
	_ =	sdelay $0x3  }
0x36: {  	p1 =	seq.s32 s10, $0x1;
	s10 =	sld [smem:$0x3FB3];
	_ =	sdelay $0x3  }
0x37: {  	[smem:$0x3FB3] =	sst s10  }
0x38: {  	s10 =	sld [smem:$0x3FB4]  }
0x39: {  	_ = 	snop;
	(pc) =	sbr.ind lr, $3  }
0x3a: {  	_ = 	snop  }
0x3b: {  	_ = 	snop  }
0x3c: {  	p2 =	seq.s32 s10, $0x1;
	s10 =	sld [smem:$0x3FB3]  }
0x3d: {  	_ =	shalt  }
0x3e: {  	_ =	shalt  }
0x3f: {  	_ =	shalt  }
0x40: {  	_ =	shalt  }
0x41: {  	_ =	shalt  }
0x42: {  	_ =	shalt  }
0x43: {  	_ =	shalt  }
0x44: {  	_ =	shalt  }
0x45: {  	_ =	shalt  }
0x46: {  	_ =	shalt  }
0x47: {  	_ =	shalt  }
0x48: {  	_ =	shalt  }
0x49: {  	_ =	shalt  }
0x4a: {  	_ =	shalt  }
0x4b: {  	_ =	shalt  }
0x4c: {  	_ =	shalt  }
0x4d: {  	_ =	shalt  }
0x4e: {  	_ =	shalt  }
0x4f: {  	_ =	shalt  }
0x50: {  	_ =	shalt  }
0x51: {  	_ =	shalt  }
0x52: {  	_ =	shalt  }
0x53: {  	_ =	shalt  }
0x54: {  	_ =	shalt  }
0x55: {  	_ =	shalt  }
0x56: {  	_ =	shalt  }
0x57: {  	_ =	shalt  }
0x58: {  	_ =	shalt  }
0x59: {  	_ =	shalt  }
0x5a: {  	_ =	shalt  }
0x5b: {  	_ =	shalt  }
0x5c: {  	_ =	shalt  }
0x5d: {  	_ =	shalt  }
0x5e: {  	_ =	shalt  }
0x5f: {  	_ =	shalt  }
0x60: {  	_ =	shalt  }
0x61: {  	_ =	shalt  }
0x62: {  	_ =	shalt  }
0x63: {  	_ =	shalt  }
0x64: {  	_ =	shalt  }
0x65: {  	_ =	shalt  }
0x66: {  	_ =	shalt  }
0x67: {  	_ =	shalt  }
0x68: {  	_ =	shalt  }
0x69: {  	_ =	shalt  }
0x6a: {  	_ =	shalt  }
0x6b: {  	_ =	shalt  }
0x6c: {  	_ =	shalt  }
0x6d: {  	_ =	shalt  }
0x6e: {  	_ =	shalt  }
0x6f: {  	_ =	shalt  }
0x70: {  	_ =	shalt  }
0x71: {  	_ =	shalt  }
0x72: {  	_ =	shalt  }
0x73: {  	_ =	shalt  }
0x74: {  	_ =	shalt  }
0x75: {  	_ =	shalt  }
0x76: {  	_ =	shalt  }
0x77: {  	_ =	shalt  }
0x78: {  	_ =	shalt  }
0x79: {  	_ =	shalt  }
0x7a: {  	_ =	shalt  }
0x7b: {  	_ =	shalt  }
0x7c: {  	_ =	shalt  }
0x7d: {  	_ =	shalt  }
0x7e: {  	_ =	shalt  }
0x7f: {  	_ =	shalt  }
0x80: {  	_ =	shalt  }
0x81: {  	_ =	shalt  }
0x82: {  	_ =	shalt  }
0x83: {  	_ =	shalt  }
0x84: {  	_ =	shalt  }
0x85: {  	_ =	shalt  }
0x86: {  	_ =	shalt  }
0x87: {  	_ =	shalt  }
.Lfunc_end0:
.L_simem_size_0:
called_computation.1_lowered:
.L_overlay_start_0:
0x88: {  	s2 =	sld [smem:$0x3FD9]  }
0x89: {  	s3 =	sld [smem:$0x3FFE];
	_ =	sdelay $0x1  }
0x8a: {  	s1 =	srdreg.scid  }
0x8b: {  	s0 =	sand.u32 $0x1, s1  }
0x8c: {  	s17 =	sshll.u32 s0, $0xA;
	s2 =	sadd.s32 s3, s2  }
0x8d: {  	s2 =	sadd.s32 s2, s17  }
0x8e: {  	[smem:$0x3FBF] =	sst s2  }
0x8f: {  	_ = 	snop  }
0x90: {  	s2 =	sld [smem:$0x3FD0];
	(tm) =	ssettm $0x1  }
0x91: {  	s18 =	sld [smem:$0x3FFB];
	_ =	sdelay $0x3  }
0x92: {  	_ =	strace s18  }
0x93: {  	s3 =	sld [smem:$0x3FFC];
	_ =	sdelay $0x3  }
0x94: {  	_ =	strace s3  }
0x95: {  	s3 =	sld [smem:$0x3FFD];
	_ =	sdelay $0x3  }
0x96: {  	_ =	strace s3  }
0x97: {  	_ =	strace $0x8FFFFFFF  }
0x98: {  	s19 =	sld [smem:$0x3FDB];
	_ =	sdelay $0x1  }
0x99: {  	s4 =	simm.s32 $_scs_section_size  }
0x9a: {  	s5 =	simm.s32 $_size__tile_overlayer_lowered;
	s6 =	simm.s32 $_tile_overlayer_lowered  }
0x9b: {  	s22 =	simm.s32 $0x1BFF;
	s21 =	sshll.u32 s6, $0x1;
	s3 =	sadd.s32 s4, s19  }
0x9c: {  	s7 =	simm.s32 $0x0;
	s20 =	sshll.u32 s5, $0x1;
	s5 =	sadd.s32 s21, s3  }
0x9d: {  	[timem:s7], [sflag:s22] =	dma.local [hbm:s5], s20  }
0x9e: {  	_ =	swait.ge [sflag:s22], s20  }
0x9f: {  	s4 =	ssub.s32 $0x0, s20;
	[sflag:s22] =	ssyncset.done $0x0  }
0xa0: {  	[sflag:s22] =	ssyncadd.s32 s4;
	_ =	sdelay $0x1  }
0xa1: {  	s23 =	simm.s32 $0x1B8B  }
0xa2: {  	_ =	swait.ge [sflag:s23], $0x1  }
0xa3: {  	[sflag:s23] =	ssyncset.done $0x0  }
0xa4: {  	s25 =	simm.s32 $0x1B8E;
	s24 =	sld [smem:$0x3FFE];
	[sflag:s23] =	ssyncadd.s32 $0xFFFFFFFF  }
0xa5: {  	s26 =	simm.s32 $execute0_lowered;
	[smem:$0x3FD2] =	sst s25  }
0xa6: {  	s5 =	sshll.u32 s26, $0x1;
	_ =	strace $0x80000049;
	[dreg:$0x1] =	wrdreg $0xFFFFFFFF  }
0xa7: {  	s28 =	simm.s32 $_size_execute0_lowered;
	s3 =	sadd.s32 s3, s5;
	[dreg:$0x0] =	wrdreg $0x0  }
0xa8: {  	s5 =	sshll.u32 s28, $0x1;
	[dreg:$0x2] =	wrdreg s3  }
0xa9: {  	[dreg:$0x3] =	wrdreg s5  }
0xaa: {  	[dreg:$0x4] =	wrdreg $0xC0  }
0xab: {  	_ =	task [dreg:s7], $0x5FFFF  }
0xac: {  	[dreg:$0x1] =	wrdreg $0xFFFFFFFF  }
0xad: {  	[dreg:$0x0] =	wrdreg $0x60  }
0xae: {  	[dreg:$0x2] =	wrdreg s24  }
0xaf: {  	[dreg:$0x3] =	wrdreg s2  }
0xb0: {  	[dreg:$0x4] =	wrdreg $0x90000  }
0xb1: {  	[dreg:$0x5] =	wrdreg $0x9  }
0xb2: {  	_ =	task.clear_ibuf [dreg:s7], $0x6FFFF;
	_ =	strace $0x90000049  }
0xb3: {  	s29 =	simm.s32 $0x9;
	_ =	strace $0x8000004B  }
0xb4: {  	_ =	swait.ge [sflag:s29], $0x1  }
0xb5: {  	[sflag:s29] =	ssyncadd.s32 $0xFFFFFFFF  }
0xb6: {  	_ =	strace $0x9000004B  }
0xb7: {  	_ =	sfence  }
0xb8: {  	s30 =	sld [smem:$0x0];
	_ =	sdelay $0x2  }
0xb9: {  	s31 =	sshll.u32 s1, $0xD;
	s1 =	sshrl.u32 s1, $0x2  }
0xba: {  	s3 =	sand.u32 $0x4000, s31;
	s1 =	sadd.s32 s1, s30  }
0xbb: {  	s0 =	sor.u32 s3, s0;
	s1 =	sshll.u32 s1, $0x11  }
0xbc: {  	s0 =	sor.u32 s1, s0  }
0xbd: {  	s0 =	sadd.s32 $0x8F2B, s0  }
0xbe: {  	[sflag:s0] =	ssyncadd.remote.s32 $0x1  }
0xbf: {  	_ =	sfence.sel $0xFFFF  }
0xc0: {  	[dreg:$0x0] =	wrdreg $0xFFFFFFFF;
	(pc) =	sbr.abs _section_cstart, $3  }
0xc1: {  	[dreg:$0x1] =	wrdreg $0xFFFFFFFF  }
0xc2: {  	_ =	task.clear_ibuf [dreg:s7], $0x2FFFF;
	_ =	strace $0x9FFFFFFF  }
0xc3: {  	(tm) =	ssettm $0x7FFFFFFF  }
tec
execute0_lowered:
.L_overlay_start_1:
0x0: {  	(tag) =	ssettag $0x1  }
0x1: {  	s5 =	rddreg [dreg:$0x0];
	s1 =	srdreg.scid  }
0x2: {  	s0 =	stileid.u32;
	s11 =	rddreg [dreg:$0x1]  }
0x3: {  	s2 =	rddreg [dreg:$0x2];
	s3 =	simm.s32 $0x0;
	s22 =	simm.s32 $0x1  }
0x4: {  	s7 =	sand.u32 $0x1, s1;
	s1 =	rddreg [dreg:$0x3];
	s6 =	smul.u32 $0x50000, s0  }
0x5: {  	s25 =	sshll.u32 s0, $0x1;
	[smem:$0x7FF] =	sst s3;
	s10 =	smul.u32 $0x14000, s0  }
0x6: {  	s16 =	sadd.s32 $0x5C200, s5;
	s4 =	sor.u32 s7, s25;
	s19 =	smul.u32 $0x140000, s7  }
0x7: {  	_ =	strace $0x8000004A;
	s26 =	ssub.s32 $0x2, s7;
	s12 =	smul.u32 $0x500, s4  }
0x8: {  	s4 =	sadd.s32 $0x2200, s5;
	s8 =	sshrl.u32 s26, $0x1;
	s6 =	sshrl.u32 s6, $0x2  }
0x9: {  	s14 =	sadd.s32 $0x4000, s10;
	s15 =	sadd.s32 $0x8000, s10;
	s18 =	sadd.s32 $0xC000, s10  }
0xa: {  	s20 =	sadd.s32 $0x10000, s10;
	s17 =	ssub.s32 s26, s8;
	s7 =	sadd.s32 s15, s2  }
0xb: {  	s8 =	sadd.s32 s18, s2;
	s9 =	sadd.s32 s20, s2;
	s21 =	sadd.s32 s10, s19  }
0xc: {  	s29 =	sadd.s32 s19, s15;
	s30 =	sadd.s32 s19, s18;
	s31 =	sadd.s32 s19, s20  }
0xd: {  	s20 =	simm.s32 $0x2800;
	s13 =	sadd.s32 s12, s5;
	s5 =	sadd.s32 s6, s2  }
0xe: {  	s6 =	sadd.s32 s14, s2;
	s14 =	sadd.s32 s19, s14;
	s28 =	sshrl.u32 s21, $0x3  }
0xf: {  	s11 =	sadd.s32 s11, s12;
	s15 =	sshrl.u32 s30, $0x3;
	s18 =	sshrl.u32 s31, $0x3  }
0x10: {  	s17 =	smax.u32 s17, $0x1;
	s19 =	simm.s32 $0x2;
	s21 =	simm.s32 $0x80  }
0x11: {  	s10 =	sadd.s32 $0x52200, s13;
	s14 =	sshrl.u32 s14, $0x3;
	s12 =	sadd.s32 s16, s28  }
0x12: {  	s15 =	sadd.s32 s16, s15;
	s13 =	sadd.s32 s16, s14;
	s14 =	sshrl.u32 s29, $0x3  }
0x13: {  	v0 =	vimm.f32 $0.0e+00;
	s14 =	sadd.s32 s16, s14;
	s16 =	sadd.s32 s16, s18;
	s18 =	simm.s32 $0x5000  }
.LBB2_1:
0x14: {  	s23 =	simm.s32 $0x0;
	s24 =	simm.s32 $0x200  }
.LBB2_2:
0x15: {  	p0 =	sne.s32 s24, $0xFE00;
	[tilespmem:s23+$0x5070] =	vst v0  }
0x16: {  	[tilespmem:s23+$0x5000] =	vst v0  }
0x17: {  	[tilespmem:s23+$0x5010] =	vst v0  }
.Ltmp0:
0x18: {  	[tilespmem:s23+$0x5020] =	vst v0;
	(pc) =	sbr.rel @p0 .LBB2_2-.Ltmp0, $4  }
0x19: {  	[tilespmem:s23+$0x5030] =	vst v0  }
0x1a: {  	[tilespmem:s23+$0x5040] =	vst v0  }
0x1b: {  	[tilespmem:s23+$0x5050] =	vst v0  }
0x1c: {  	[tilespmem:s23+$0x5060] =	vst v0;
	s23 =	sshra.s32 s24, $0x2;
	s24 =	sadd.s32 $0x200, s24  }
0x1d: {  	[tilespmem:s23+$0x5070] =	vst v0  }
0x1e: {  	[tilespmem:s23+$0x5000] =	vst v0  }
0x1f: {  	[tilespmem:s23+$0x5010] =	vst v0  }
0x20: {  	[tilespmem:s23+$0x5020] =	vst v0  }
0x21: {  	[tilespmem:s23+$0x5030] =	vst v0  }
0x22: {  	[tilespmem:s23+$0x5040] =	vst v0  }
0x23: {  	[tilespmem:s23+$0x5050] =	vst v0  }
0x24: {  	[tilespmem:s23+$0x5060] =	vst v0  }
0x25: {  	[spmem:s5] =	stream.linear.scatter [tilespmem:s18], [sflag:$0x2], $0x4000, $0x38;
	[tilespmem:$0x1D000] =	vst v63  }
0x26: {  	_ =	swait.ge [sflag:s19], $0x4000  }
0x27: {  	[sflag:s19] =	ssyncset.done $0x0  }
0x28: {  	[sflag:s19] =	ssyncadd.s32 $0xFFFFC000  }
0x29: {  	[spmem:s6] =	stream.linear.scatter [tilespmem:s18], [sflag:$0x2], $0x4000, $0x38;
	[tilespmem:$0x1D000] =	vst v63  }
0x2a: {  	_ =	swait.ge [sflag:s19], $0x4000  }
0x2b: {  	[sflag:s19] =	ssyncset.done $0x0  }
0x2c: {  	[sflag:s19] =	ssyncadd.s32 $0xFFFFC000  }
0x2d: {  	[spmem:s7] =	stream.linear.scatter [tilespmem:s18], [sflag:$0x2], $0x4000, $0x38;
	[tilespmem:$0x1D000] =	vst v63  }
0x2e: {  	_ =	swait.ge [sflag:s19], $0x4000  }
0x2f: {  	[sflag:s19] =	ssyncset.done $0x0  }
0x30: {  	[sflag:s19] =	ssyncadd.s32 $0xFFFFC000  }
0x31: {  	[spmem:s8] =	stream.linear.scatter [tilespmem:s18], [sflag:$0x2], $0x4000, $0x38;
	[tilespmem:$0x1D000] =	vst v63  }
0x32: {  	_ =	swait.ge [sflag:s19], $0x4000  }
0x33: {  	[sflag:s19] =	ssyncset.done $0x0  }
0x34: {  	[sflag:s19] =	ssyncadd.s32 $0xFFFFC000  }
0x35: {  	[spmem:s9] =	stream.linear.scatter [tilespmem:s18], [sflag:$0x2], $0x4000, $0x38;
	[tilespmem:$0x1D000] =	vst v63  }
0x36: {  	_ =	swait.ge [sflag:s19], $0x4000  }
0x37: {  	[sflag:s19] =	ssyncset.done $0x0  }
0x38: {  	[sflag:s19] =	ssyncadd.s32 $0xFFFFC000  }
0x39: {  	s29 =	simm.s32 $0x0;
	[bflag:$0x0] =	sbarrier.arrive $0xFFFF  }
0x3a: {  	[tilespmem:s29], [sflag:$0x2] =	stream.linear.gather [hbm4b:s10+s29], $0x2780, $0x38;
	[tilespmem:$0x1D000] =	vst v63  }
0x3b: {  	_ =	swait.ge [sflag:s19], $0x2780  }
0x3c: {  	[sflag:s19] =	ssyncset.done $0x0  }
0x3d: {  	[sflag:s19] =	ssyncadd.s32 $0xFFFFD880  }
0x3e: {  	[tilespmem:s20], [sflag:$0x2] =	stream.linear.gather [hbm4b:s11+s29], $0x2780, $0x38;
	[tilespmem:$0x1D000] =	vst v63  }
0x3f: {  	_ =	swait.ge [sflag:s19], $0x2780  }
0x40: {  	[sflag:s19] =	ssyncset.done $0x0  }
0x41: {  	s30 =	simm.s32 $0x0;
	[sflag:s19] =	ssyncadd.s32 $0xFFFFD880  }
0x42: {  	[tilespmem:s18], [sflag:$0x1] =	stream.indirect.gather [hbm4b:s4+s21], $0x80, s30, s21, $0xb8;
	[tilespmem:$0x1D000] =	vst v63  }
0x43: {  	_ =	swait.ge [sflag:s22], $0x4000  }
0x44: {  	[sflag:s22] =	ssyncset.done $0x0  }
0x45: {  	s31 =	simm.s32 $0x2800;
	[sflag:s22] =	ssyncadd.s32 $0xFFFFC000  }
0x46: {  	[spmem:s2] =	stream.indirect.scatter.add.f32 [tilespmem:s18], [sflag:$0x2], $0x80, s31, s21, $0xb8;
	[tilespmem:$0x1D000] =	vst v63  }
0x47: {  	_ =	swait.ge [sflag:s19], $0x4000  }
0x48: {  	s23 =	simm.s32 $0x200;
	s24 =	simm.s32 $0x400;
	[sflag:s19] =	ssyncset.done $0x0  }
.LBB2_4:
0x49: {  	s25 =	sshra.s32 s23, $0x2  }
0x4a: {  	[sflag:s19] =	ssyncadd.s32 $0xFFFFC000;
	s23 =	smov.u32 s24;
	s26 =	sadd.s32 $0x200, s24  }
0x4b: {  	[tilespmem:s18], [sflag:$0x1] =	stream.indirect.gather [hbm4b:s4+s21], $0x80, s25, s21, $0xb8;
	[tilespmem:$0x1D000] =	vst v63  }
0x4c: {  	p0 =	sne.s32 s24, $0x9C00;
	_ =	swait.ge [sflag:s22], $0x4000  }
.Ltmp1:
0x4d: {  	[sflag:s22] =	ssyncset.done $0x0;
	(pc) =	sbr.rel @p0 .LBB2_4-.Ltmp1, $4  }
0x4e: {  	s24 =	sadd.s32 $0x2800, s25;
	[sflag:s22] =	ssyncadd.s32 $0xFFFFC000  }
0x4f: {  	[spmem:s2] =	stream.indirect.scatter.add.f32 [tilespmem:s18], [sflag:$0x2], $0x80, s24, s21, $0xb8;
	[tilespmem:$0x1D000] =	vst v63  }
0x50: {  	_ =	swait.ge [sflag:s19], $0x4000  }
0x51: {  	s24 =	smov.u32 s26;
	[sflag:s19] =	ssyncset.done $0x0  }
0x52: {  	s23 =	sshra.s32 s23, $0x2;
	[sflag:s19] =	ssyncadd.s32 $0xFFFFC000  }
0x53: {  	[tilespmem:s18], [sflag:$0x1] =	stream.indirect.gather [hbm4b:s4+s21], $0x80, s23, s21, $0xb8;
	[tilespmem:$0x1D000] =	vst v63  }
0x54: {  	_ =	swait.ge [sflag:s22], $0x4000  }
0x55: {  	[sflag:s22] =	ssyncset.done $0x0  }
0x56: {  	s23 =	sadd.s32 $0x2800, s23;
	[sflag:s22] =	ssyncadd.s32 $0xFFFFC000  }
0x57: {  	[spmem:s2] =	stream.indirect.scatter.add.f32 [tilespmem:s18], [sflag:$0x2], $0x80, s23, s21, $0xb8;
	[tilespmem:$0x1D000] =	vst v63  }
0x58: {  	_ =	swait.ge [sflag:s19], $0x4000  }
0x59: {  	[sflag:s19] =	ssyncset.done $0x0  }
0x5a: {  	s26 =	sshll.u32 s0, $0x6;
	[sflag:s19] =	ssyncadd.s32 $0xFFFFC000  }
0x5b: {  	s24 =	sshrl.u32 s5, $0x3;
	s23 =	sor.u32 $0x1C02, s26;
	[bflag:$0x0] =	sbarrier.arrive $0xFFFF  }
0x5c: {  	[hbm:s12], [sflag:s23] =	dma.local [spmem:s24], $0x800  }
0x5d: {  	_ =	swait.ge [sflag:s19], $0x800  }
0x5e: {  	[sflag:s19] =	ssyncset.done $0x0  }
0x5f: {  	s28 =	sshrl.u32 s6, $0x3;
	[sflag:s19] =	ssyncadd.s32 $0xFFFFF800  }
0x60: {  	[hbm:s13], [sflag:s23] =	dma.local [spmem:s28], $0x800  }
0x61: {  	_ =	swait.ge [sflag:s19], $0x800  }
0x62: {  	[sflag:s19] =	ssyncset.done $0x0  }
0x63: {  	s29 =	sshrl.u32 s7, $0x3;
	[sflag:s19] =	ssyncadd.s32 $0xFFFFF800  }
0x64: {  	[hbm:s14], [sflag:s23] =	dma.local [spmem:s29], $0x800  }
0x65: {  	_ =	swait.ge [sflag:s19], $0x800  }
0x66: {  	[sflag:s19] =	ssyncset.done $0x0  }
0x67: {  	s30 =	sshrl.u32 s8, $0x3;
	[sflag:s19] =	ssyncadd.s32 $0xFFFFF800  }
0x68: {  	[hbm:s15], [sflag:s23] =	dma.local [spmem:s30], $0x800  }
0x69: {  	s3 =	sadd.s32 $0x1, s3;
	_ =	swait.ge [sflag:s19], $0x800  }
0x6a: {  	p0 =	sne.s32 s3, s17;
	[sflag:s19] =	ssyncset.done $0x0  }
.Ltmp2:
0x6b: {  	s31 =	sshrl.u32 s9, $0x3;
	[sflag:s19] =	ssyncadd.s32 $0xFFFFF800;
	(pc) =	sbr.rel @p0 .LBB2_1-.Ltmp2, $4  }
0x6c: {  	[hbm:s16], [sflag:s23] =	dma.local [spmem:s31], $0x800  }
0x6d: {  	_ =	swait.ge [sflag:s19], $0x800  }
0x6e: {  	[sflag:s19] =	ssyncset.done $0x0  }
0x6f: {  	[sflag:s19] =	ssyncadd.s32 $0xFFFFF800  }
0x70: {  	_ =	sfence.sel $0x180000  }
0x71: {  	[bflag:$0x0] =	sbarrier.arrive $0xFFFF  }
0x72: {  	p0 =	sne.s32 s0, $0x0;
	_ =	strace $0x9000004A  }
0x73: {  	s0 =	sadd.s32 @!p0 $0x100000, s1;
	[bflag:$0x2] =	sbarrier.arrive $0xFFFF  }
0x74: {  	[sflag:s0] =	ssyncadd.tile.s32 @!p0 $0x1;
	_ =	shalt  }
.Lfunc_end2:
_tile_overlayer_lowered:
.L_overlay_start_2:
0x75: {  	(tag) =	ssettag $0x2  }
0x76: {  	s0 =	rddreg [dreg:$0x0];
	s2 =	stileid.u32  }
0x77: {  	s1 =	rddreg [dreg:$0x1];
	p0 =	sne.s32 s2, $0x0  }
0x78: {  	s3 =	rddreg [dreg:$0x2];
	[bflag:$0x3] =	sbarrier.arrive $0xFFFF;
	s2 =	simm.s32 @!p0 $0x1C02  }
0x79: {  	[timem:s3], [sflag:s2] =	dma.local @!p0 [hbm:s0], s1  }
0x7a: {  	s0 =	simm.s32 @!p0 $0x2  }
0x7b: {  	_ =	swait.ge @!p0 [sflag:s0], s1  }
0x7c: {  	s1 =	ssub.s32 @!p0 $0x0, s1;
	[sflag:s0] =	ssyncset.done @!p0 $0x0  }
0x7d: {  	[sflag:s0] =	ssyncadd.s32 @!p0 s1  }
0x7e: {  	[bflag:$0x3] =	sbarrier.arrive $0xFFFF  }
0x7f: {  	_ =	shalt  }

</sc_bundles>
